<compile_context>
chip_gen: v7x
topology: tpu7x:2x2x1
jax: 0.10.2.dev20260603
libtpu: 0.0.44.dev20260713+nightly
codegen_flags: <defaults>
</compile_context>

<pallas_src>
import functools

import jax
import jax.numpy as jnp
import numpy as np
from jax import lax
from jax.experimental import pallas as pl
from jax.experimental.pallas import tpu as pltpu
from jax.experimental.pallas import tpu_sc as plsc

B = 64
S = 8192
L = 16
NSB = 16
SB = S // NSB
NCH = SB // L
NC = 2
NS = 16
NW = NC * NS
ROWS_PER_W = B // NW

def _threefry2x32(k1, k2, x0, x1):
    u32 = np.uint32
    k1, k2 = u32(k1), u32(k2)
    x = [x0.astype(u32).copy(), x1.astype(u32).copy()]
    ks = [k1, k2, u32(k1 ^ k2 ^ np.uint32(0x1BD11BDA))]
    rotations = [(13, 15, 26, 6), (17, 29, 16, 24)]

    def rotl(v, d):
        return ((v << u32(d)) | (v >> u32(32 - d))).astype(u32)

    x[0] = (x[0] + ks[0]).astype(u32)
    x[1] = (x[1] + ks[1]).astype(u32)
    for i in range(5):
        for r in rotations[i % 2]:
            x[0] = (x[0] + x[1]).astype(u32)
            x[1] = x[0] ^ rotl(x[1], r)
        x[0] = (x[0] + ks[(i + 1) % 3]).astype(u32)
        x[1] = (x[1] + ks[(i + 2) % 3] + u32(i + 1)).astype(u32)
    return x[0], x[1]


def _u_consts():
    lo = np.arange(B, dtype=np.uint32)
    hi = np.zeros(B, np.uint32)
    k1, k2 = _threefry2x32(0, 42, hi, lo)
    u = np.empty((B, 3), np.float32)
    for i in range(B):
        b1, b2 = _threefry2x32(
            k1[i], k2[i],
            np.zeros(3, np.uint32), np.arange(3, dtype=np.uint32),
        )
        bits = (b1 ^ b2).astype(np.uint32)
        f = ((bits >> np.uint32(9)) | np.uint32(0x3F800000)).view(np.float32)
        u[i] = np.maximum(np.float32(0.0), f - np.float32(1.0))
    return u


def _u_flat():
    up = np.zeros((B, L), np.float32)
    up[:, :3] = _u_consts()
    return up.reshape(B * L)


@functools.cache
def _build_kernel():
    mesh = plsc.VectorSubcoreMesh(
        core_axis_name="c", subcore_axis_name="s", num_cores=NC, num_subcores=NS
    )
    return pl.kernel(
        _sample_body,
        out_type=jax.ShapeDtypeStruct((B, S), jnp.int32),
        mesh=mesh,
        scratch_types=[
            pltpu.VMEM((2 * S,), jnp.int32),
            pltpu.VMEM((S,), jnp.int32),
            pltpu.VMEM((2 * L,), jnp.float32),
            pltpu.SemaphoreType.DMA,
        ],
        compiler_params=pltpu.CompilerParams(
            needs_layout_passes=False, use_tc_tiling_on_sc=True
        ),
    )


def _find_indices(mask_v, rbase, uvec, iota):
    zeros16 = jnp.zeros((L,), jnp.int32)

    @plsc.parallel_loop(0, SB, step=8, carry=zeros16)
    def svec(i, acc):
        g = zeros16
        for k in range(8):
            off = (iota + (i + k)) & (SB - 1)
            g = g + plsc.load_gather(mask_v, [rbase + iota * SB + off])
        return acc + g

    s = jnp.sum(svec)
    sfv = jnp.full((L,), s, jnp.int32).astype(jnp.float32)
    onev = jnp.full((L,), jnp.float32(1.0))
    c1v = onev / jnp.maximum(sfv, onev)
    stv = sfv * c1v
    pcum = plsc.cumsum(svec)

    def one_target(t, iv_acc):
        ut = jnp.sum(jnp.where(iota == t, uvec, jnp.float32(0.0)))
        rtv = stv * (onev - ut)
        est = jnp.max((rtv * sfv).astype(jnp.int32))
        base = jnp.maximum(est - 8, 0)
        ks = base + 1 + iota
        g = ks.astype(jnp.float32) * c1v
        cnt = jnp.sum(jnp.where((g < rtv) & (ks <= s), 1, 0))
        m = base + cnt + 1

        bt = jnp.min(jnp.where(pcum >= m, iota, NSB))
        bt = jnp.minimum(bt, NSB - 1)
        pbefore = jnp.sum(jnp.where(iota < bt, svec, 0))
        m2 = m - pbefore

        @plsc.parallel_loop(0, 32, step=8, carry=zeros16)
        def ssum(off, acc):
            g2 = zeros16
            for k in range(8):
                o2 = (iota + (off + k)) & 31
                g2 = g2 + plsc.load_gather(
                    mask_v, [rbase + bt * SB + iota * 32 + o2]
                )
            return acc + g2

        scum = plsc.cumsum(ssum)
        ct = jnp.min(jnp.where(scum >= m2, iota, L))
        ct = jnp.minimum(ct, L - 1)
        pb2 = jnp.sum(jnp.where(iota < ct, ssum, 0))
        m3 = m2 - pb2

        cbase = bt * SB + ct * 32
        v0 = plsc.load_gather(mask_v, [rbase + cbase + iota])
        v1 = plsc.load_gather(mask_v, [rbase + cbase + L + iota])
        lc0 = plsc.cumsum(v0)
        lc1 = plsc.cumsum(v1)
        tot0 = jnp.max(lc0)
        lane0 = jnp.min(jnp.where(lc0 >= m3, iota, L))
        lane1 = jnp.min(jnp.where(lc1 >= (m3 - tot0), iota, L))
        idx = cbase + jnp.where(
            m3 <= tot0,
            jnp.minimum(lane0, L - 1),
            L + jnp.minimum(lane1, L - 1),
        )
        idx = jnp.where(s > 0, idx, 0)
        return jnp.where(iota == t, idx, iv_acc)

    return lax.fori_loop(0, 3, one_target, jnp.zeros((L,), jnp.int32))


def _sample_body(mask_hbm, u_hbm, out_hbm, mask_v, r_a, u_v, sem_in):
    wid = lax.axis_index("s") * NC + lax.axis_index("c")
    iota = lax.iota(jnp.int32, L)
    zeros16 = jnp.zeros((L,), jnp.int32)
    row0 = wid * ROWS_PER_W

    cp_a = pltpu.make_async_copy(mask_hbm.at[row0], mask_v.at[pl.ds(0, S)], sem_in)
    cp_a.start()
    cp_b = pltpu.make_async_copy(
        mask_hbm.at[row0 + 1], mask_v.at[pl.ds(S, S)], sem_in
    )
    cp_b.start()
    pltpu.sync_copy(u_hbm.at[pl.ds(row0 * L, 2 * L)], u_v)

    @plsc.parallel_loop(0, S // L, unroll=8)
    def _zinit(i):
        r_a[pl.ds(i * L, L)] = zeros16

    msk3 = iota < 3
    ones16 = jnp.ones((L,), jnp.int32)
    u_lo = u_v[pl.ds(0, L)]
    u_hi = u_v[pl.ds(L, L)]

    cp_a.wait()
    cp_b.wait()

    def do_row(rr, carry):
        uvec = jnp.where(rr == 0, u_lo, u_hi)
        iv = _find_indices(mask_v, rr * S, uvec, iota)
        plsc.store_scatter(r_a, [iv], ones16, mask=msk3)
        pltpu.sync_copy(r_a, out_hbm.at[row0 + rr])
        plsc.store_scatter(r_a, [iv], zeros16, mask=msk3)
        return carry

    lax.fori_loop(0, ROWS_PER_W, do_row, 0)


def kernel(input_ids, my_attention_mask):
    assert my_attention_mask.shape == (B, S)
    u = jnp.asarray(_u_flat())
    new_mask = _build_kernel()(my_attention_mask, u)
    return (input_ids, new_mask)

# --- scband reference (transcript-rebuilt; emitter-appended) ---
"""Pipeline reference for scband-attention-net-34505767256165 (READ-ONLY COPY).

The authoritative reference and input builder live on the scoring server;
editing this copy changes nothing except your own understanding.
"""

import jax, jax.numpy as jnp
import numpy as np

B = 64
S = 8192
VOCAB = 32000

def setup_inputs(seed: int = 0) -> dict:
    key = jax.random.key(seed)
    k1, k2 = jax.random.split(key)
    input_ids = jax.random.randint(k1, (B, S), 0, VOCAB)
    my_attention_mask = jax.random.randint(k2, (B, S), 0, 2)
    return {"input_ids": input_ids, "my_attention_mask": my_attention_mask}

def reference(input_ids, my_attention_mask):
    # view mask as (-1, last_dim)
    last = my_attention_mask.shape[-1]
    m2 = my_attention_mask.reshape((-1, last))
    n_rows = m2.shape[0]
    # for each row: sample 3 positions (with replacement) among positions where mask==1,
    # matching np.random.choice(one_indices[i], 3)
    keys = jax.random.split(jax.random.key(42), n_rows)
    def sample_row(k, mrow):
        p = mrow.astype(jnp.float32)
        p = p / jnp.maximum(p.sum(), 1.0)
        idx = jax.random.choice(k, last, shape=(3,), replace=True, p=p)
        # build new mask: 1 at chosen indices, 0 elsewhere (scatter-overwrite)
        return jnp.zeros_like(mrow).at[idx].set(1)
    new_mask = jax.vmap(sample_row)(keys, m2)
    new_mask = new_mask.reshape(input_ids.shape)
    # original module returns a dict {'my_attention_mask': ..., 'input_ids': ...}
    return (input_ids, new_mask)

if __name__ == "__main__":
    import jax
    _d = setup_inputs()
    print(jax.jit(kernel)(*tuple(_d.values())))

</pallas_src>

<mosaic_0001>
#map = affine_map<(d0, d1) -> (0, 0)>
#map1 = affine_map<(d0, d1) -> (0)>
module attributes {stable_mosaic.version = 14 : i64} {
  func.func @_sample_body(%arg0: i32, %arg1: i32, %arg2: memref<64x8192xi32, #tpu.memory_space<hbm>>, %arg3: memref<1024xf32, #tpu.memory_space<hbm>>, %arg4: memref<64x8192xi32, #tpu.memory_space<hbm>>, %arg5: memref<16384xi32, #tpu.memory_space<vmem>>, %arg6: memref<8192xi32, #tpu.memory_space<vmem>>, %arg7: memref<32xf32, #tpu.memory_space<vmem>>, %arg8: memref<!tpu.dma_semaphore, #tpu.memory_space<semaphore_mem>>) attributes {dimension_semantics = [#tpu.dimension_semantics<core_parallel>, #tpu.dimension_semantics<subcore_parallel>], iteration_bounds = array<i64: 2, 16>, scalar_prefetch = 0 : i64, scratch_operands = 4 : i64, tpu.core_type = #tpu.core_type<sc_vector_subcore>, window_params = [{transform_indices = #map}, {transform_indices = #map1}, {transform_indices = #map}]} {
    %mul3A = arith.constant 2 : i32
    %mul3A_0 = arith.muli %arg1, %mul3A : i32
    %add3A = arith.addi %mul3A_0, %arg0 : i32
    %iota3A = tpu.iota {dimensions = array<i32: 0>} : vector<16xi32>
    %broadcast_in_dim3A = arith.constant 0 : i32
    %broadcast_in_dim3A_1 = vector.broadcast %broadcast_in_dim3A : i32 to vector<16xi32>
    %mul3A_2 = arith.constant 2 : i32
    %mul3A_3 = arith.muli %add3A, %mul3A_2 : i32
    %dma_start3A = arith.constant 0 : i32
    %dma_start3A_4 = tpu.memref_slice %arg5[%dma_start3A] : memref<16384xi32, #tpu.memory_space<vmem>> -> memref<8192xi32, #tpu.memory_space<vmem>>
    %dma_start3A_5 = arith.constant 0 : i32
    %dma_start3A_6 = tpu.memref_slice %arg2[%mul3A_3, %dma_start3A_5] : memref<64x8192xi32, #tpu.memory_space<hbm>> -> memref<1x8192xi32, #tpu.memory_space<hbm>>
    %dma_start3A_7 = tpu.memref_squeeze %dma_start3A_6 : memref<1x8192xi32, #tpu.memory_space<hbm>> -> memref<8192xi32, #tpu.memory_space<hbm>>
    %dma_start3A_8 = arith.constant 0 : i32
    %dma_start3A_9 = tpu.memref_slice %arg5[%dma_start3A_8] : memref<16384xi32, #tpu.memory_space<vmem>> -> memref<8192xi32, #tpu.memory_space<vmem>>
    %dma_start3A_10 = arith.constant 0 : i32
    %dma_start3A_11 = tpu.memref_slice %arg2[%mul3A_3, %dma_start3A_10] : memref<64x8192xi32, #tpu.memory_space<hbm>> -> memref<1x8192xi32, #tpu.memory_space<hbm>>
    %dma_start3A_12 = tpu.memref_squeeze %dma_start3A_11 : memref<1x8192xi32, #tpu.memory_space<hbm>> -> memref<8192xi32, #tpu.memory_space<hbm>>
    tpu.enqueue_dma source(%dma_start3A_12 : memref<8192xi32, #tpu.memory_space<hbm>>) target(%dma_start3A_9 : memref<8192xi32, #tpu.memory_space<vmem>>) target_semaphore(%arg8 : memref<!tpu.dma_semaphore, #tpu.memory_space<semaphore_mem>>)
    %add3A_13 = arith.constant 1 : i32
    %add3A_14 = arith.addi %mul3A_3, %add3A_13 : i32
    %dma_start3A_15 = arith.constant 8192 : i32
    %dma_start3A_16 = tpu.memref_slice %arg5[%dma_start3A_15] : memref<16384xi32, #tpu.memory_space<vmem>> -> memref<8192xi32, #tpu.memory_space<vmem>>
    %dma_start3A_17 = arith.constant 0 : i32
    %dma_start3A_18 = tpu.memref_slice %arg2[%add3A_14, %dma_start3A_17] : memref<64x8192xi32, #tpu.memory_space<hbm>> -> memref<1x8192xi32, #tpu.memory_space<hbm>>
    %dma_start3A_19 = tpu.memref_squeeze %dma_start3A_18 : memref<1x8192xi32, #tpu.memory_space<hbm>> -> memref<8192xi32, #tpu.memory_space<hbm>>
    %dma_start3A_20 = arith.constant 8192 : i32
    %dma_start3A_21 = tpu.memref_slice %arg5[%dma_start3A_20] : memref<16384xi32, #tpu.memory_space<vmem>> -> memref<8192xi32, #tpu.memory_space<vmem>>
    %dma_start3A_22 = arith.constant 0 : i32
    %dma_start3A_23 = tpu.memref_slice %arg2[%add3A_14, %dma_start3A_22] : memref<64x8192xi32, #tpu.memory_space<hbm>> -> memref<1x8192xi32, #tpu.memory_space<hbm>>
    %dma_start3A_24 = tpu.memref_squeeze %dma_start3A_23 : memref<1x8192xi32, #tpu.memory_space<hbm>> -> memref<8192xi32, #tpu.memory_space<hbm>>
    tpu.enqueue_dma source(%dma_start3A_24 : memref<8192xi32, #tpu.memory_space<hbm>>) target(%dma_start3A_21 : memref<8192xi32, #tpu.memory_space<vmem>>) target_semaphore(%arg8 : memref<!tpu.dma_semaphore, #tpu.memory_space<semaphore_mem>>)
    %mul3A_25 = arith.constant 16 : i32
    %mul3A_26 = arith.muli %mul3A_3, %mul3A_25 : i32
    "tpu.region"() ({
      %run_scoped3A = tpu.sem_alloc : memref<!tpu.dma_semaphore, #tpu.memory_space<semaphore_mem>>
      %dma_start3A_60 = tpu.memref_slice %arg3[%mul3A_26] : memref<1024xf32, #tpu.memory_space<hbm>> -> memref<32xf32, #tpu.memory_space<hbm>>
      %dma_start3A_61 = tpu.memref_slice %arg3[%mul3A_26] : memref<1024xf32, #tpu.memory_space<hbm>> -> memref<32xf32, #tpu.memory_space<hbm>>
      tpu.enqueue_dma source(%dma_start3A_61 : memref<32xf32, #tpu.memory_space<hbm>>) target(%arg7 : memref<32xf32, #tpu.memory_space<vmem>>) target_semaphore(%run_scoped3A : memref<!tpu.dma_semaphore, #tpu.memory_space<semaphore_mem>>)
      %dma_wait3A_62 = tpu.memref_slice %arg3[%mul3A_26] : memref<1024xf32, #tpu.memory_space<hbm>> -> memref<32xf32, #tpu.memory_space<hbm>>
      %dma_wait3A_63 = tpu.memref_slice %arg3[%mul3A_26] : memref<1024xf32, #tpu.memory_space<hbm>> -> memref<32xf32, #tpu.memory_space<hbm>>
      tpu.wait_dma2 semaphore(%run_scoped3A : memref<!tpu.dma_semaphore, #tpu.memory_space<semaphore_mem>>) src(%dma_wait3A_63 : memref<32xf32, #tpu.memory_space<hbm>>) dst(%arg7 : memref<32xf32, #tpu.memory_space<vmem>>)
      tpu.yield
    }) : () -> ()
    %parallel_loop3A = arith.constant 0 : i32
    %parallel_loop3A_27 = arith.constant 512 : i32
    %parallel_loop3A_28 = arith.constant 1 : i32
    scf.for %parallel_loop3A_60 = %parallel_loop3A to %parallel_loop3A_27 step %parallel_loop3A_28  : i32 {
      %parallel_loop3A_61 = arith.constant 16 : i32
      %parallel_loop3A_62 = arith.muli %parallel_loop3A_60, %parallel_loop3A_61 : i32
      %parallel_loop3A_63 = arith.index_cast %parallel_loop3A_62 : i32 to index
      %parallel_loop3A_64 = tpu.vector_load %arg6[%parallel_loop3A_63] {strides = array<i32>} : memref<8192xi32, #tpu.memory_space<vmem>>, vector<16xi32>,
      tpu.vector_store %arg6[%parallel_loop3A_63], %broadcast_in_dim3A_1 {strides = array<i32>} : memref<8192xi32, #tpu.memory_space<vmem>>, vector<16xi32>,
    } {sc.loop_unroll_factor = 8 : i64, sc.parallel_access}
    %lt3A = arith.constant 3 : i32
    %lt3A_29 = vector.broadcast %lt3A : i32 to vector<16xi32>
    %lt3A_30 = arith.cmpi slt, %iota3A, %lt3A_29 : vector<16xi32>
    %broadcast_in_dim3A_31 = arith.constant 1 : i32
    %broadcast_in_dim3A_32 = vector.broadcast %broadcast_in_dim3A_31 : i32 to vector<16xi32>
    %get3A = arith.constant 0 : index
    %get3A_33 = tpu.vector_load %arg7[%get3A] {strides = array<i32>} : memref<32xf32, #tpu.memory_space<vmem>>, vector<16xf32>,
    %get3A_34 = arith.constant 16 : index
    %get3A_35 = tpu.vector_load %arg7[%get3A_34] {strides = array<i32>} : memref<32xf32, #tpu.memory_space<vmem>>, vector<16xf32>,
    %dma_wait3A = arith.constant 0 : i32
    %dma_wait3A_36 = tpu.memref_slice %arg5[%dma_wait3A] : memref<16384xi32, #tpu.memory_space<vmem>> -> memref<8192xi32, #tpu.memory_space<vmem>>
    %dma_wait3A_37 = arith.constant 0 : i32
    %dma_wait3A_38 = tpu.memref_slice %arg2[%mul3A_3, %dma_wait3A_37] : memref<64x8192xi32, #tpu.memory_space<hbm>> -> memref<1x8192xi32, #tpu.memory_space<hbm>>
    %dma_wait3A_39 = tpu.memref_squeeze %dma_wait3A_38 : memref<1x8192xi32, #tpu.memory_space<hbm>> -> memref<8192xi32, #tpu.memory_space<hbm>>
    %dma_wait3A_40 = arith.constant 0 : i32
    %dma_wait3A_41 = tpu.memref_slice %arg5[%dma_wait3A_40] : memref<16384xi32, #tpu.memory_space<vmem>> -> memref<8192xi32, #tpu.memory_space<vmem>>
    %dma_wait3A_42 = arith.constant 0 : i32
    %dma_wait3A_43 = tpu.memref_slice %arg2[%mul3A_3, %dma_wait3A_42] : memref<64x8192xi32, #tpu.memory_space<hbm>> -> memref<1x8192xi32, #tpu.memory_space<hbm>>
    %dma_wait3A_44 = tpu.memref_squeeze %dma_wait3A_43 : memref<1x8192xi32, #tpu.memory_space<hbm>> -> memref<8192xi32, #tpu.memory_space<hbm>>
    tpu.wait_dma2 semaphore(%arg8 : memref<!tpu.dma_semaphore, #tpu.memory_space<semaphore_mem>>) src(%dma_wait3A_44 : memref<8192xi32, #tpu.memory_space<hbm>>) dst(%dma_wait3A_41 : memref<8192xi32, #tpu.memory_space<vmem>>)
    %dma_wait3A_45 = arith.constant 8192 : i32
    %dma_wait3A_46 = tpu.memref_slice %arg5[%dma_wait3A_45] : memref<16384xi32, #tpu.memory_space<vmem>> -> memref<8192xi32, #tpu.memory_space<vmem>>
    %dma_wait3A_47 = arith.constant 0 : i32
    %dma_wait3A_48 = tpu.memref_slice %arg2[%add3A_14, %dma_wait3A_47] : memref<64x8192xi32, #tpu.memory_space<hbm>> -> memref<1x8192xi32, #tpu.memory_space<hbm>>
    %dma_wait3A_49 = tpu.memref_squeeze %dma_wait3A_48 : memref<1x8192xi32, #tpu.memory_space<hbm>> -> memref<8192xi32, #tpu.memory_space<hbm>>
    %dma_wait3A_50 = arith.constant 8192 : i32
    %dma_wait3A_51 = tpu.memref_slice %arg5[%dma_wait3A_50] : memref<16384xi32, #tpu.memory_space<vmem>> -> memref<8192xi32, #tpu.memory_space<vmem>>
    %dma_wait3A_52 = arith.constant 0 : i32
    %dma_wait3A_53 = tpu.memref_slice %arg2[%add3A_14, %dma_wait3A_52] : memref<64x8192xi32, #tpu.memory_space<hbm>> -> memref<1x8192xi32, #tpu.memory_space<hbm>>
    %dma_wait3A_54 = tpu.memref_squeeze %dma_wait3A_53 : memref<1x8192xi32, #tpu.memory_space<hbm>> -> memref<8192xi32, #tpu.memory_space<hbm>>
    tpu.wait_dma2 semaphore(%arg8 : memref<!tpu.dma_semaphore, #tpu.memory_space<semaphore_mem>>) src(%dma_wait3A_54 : memref<8192xi32, #tpu.memory_space<hbm>>) dst(%dma_wait3A_51 : memref<8192xi32, #tpu.memory_space<vmem>>)
    %scan3A = arith.constant 0 : i32
    %scan3A_55 = arith.constant 0 : i32
    %scan3A_56 = arith.constant 2 : i32
    %scan3A_57 = arith.addi %scan3A_55, %scan3A_56 : i32
    %scan3A_58 = arith.constant 1 : i32
    scf.for %scan3A_60 = %scan3A_55 to %scan3A_57 step %scan3A_58  : i32 {
      %eq3A = arith.constant 0 : i32
      %eq3A_61 = arith.cmpi eq, %scan3A_60, %eq3A : i32
      %select_n3A = arith.select %eq3A_61, %get3A_33, %get3A_35 : vector<16xf32>
      %mul3A_62 = arith.constant 8192 : i32
      %mul3A_63 = arith.muli %scan3A_60, %mul3A_62 : i32
      %broadcast_in_dim3A_64 = arith.constant 0 : i32
      %broadcast_in_dim3A_65 = vector.broadcast %broadcast_in_dim3A_64 : i32 to vector<16xi32>
      %parallel_loop3A_66 = arith.constant 0 : i32
      %parallel_loop3A_67 = arith.constant 512 : i32
      %parallel_loop3A_68 = arith.constant 8 : i32
      %parallel_loop3A_69 = scf.for %parallel_loop3A_88 = %parallel_loop3A_66 to %parallel_loop3A_67 step %parallel_loop3A_68 iter_args(%parallel_loop3A_89 = %broadcast_in_dim3A_65) -> (vector<16xi32>)  : i32 {
        %parallel_loop3A_90 = arith.constant 0 : i32
        %parallel_loop3A_91 = arith.addi %parallel_loop3A_88, %parallel_loop3A_90 : i32
        %parallel_loop3A_92 = vector.broadcast %parallel_loop3A_91 : i32 to vector<16xi32>
        %parallel_loop3A_93 = arith.addi %iota3A, %parallel_loop3A_92 : vector<16xi32>
        %parallel_loop3A_94 = arith.constant 511 : i32
        %parallel_loop3A_95 = vector.broadcast %parallel_loop3A_94 : i32 to vector<16xi32>
        %parallel_loop3A_96 = arith.andi %parallel_loop3A_93, %parallel_loop3A_95 : vector<16xi32>
        %parallel_loop3A_97 = arith.constant 512 : i32
        %parallel_loop3A_98 = vector.broadcast %parallel_loop3A_97 : i32 to vector<16xi32>
        %parallel_loop3A_99 = arith.muli %iota3A, %parallel_loop3A_98 : vector<16xi32>
        %parallel_loop3A_100 = vector.broadcast %mul3A_63 : i32 to vector<16xi32>
        %parallel_loop3A_101 = arith.addi %parallel_loop3A_100, %parallel_loop3A_99 : vector<16xi32>
        %parallel_loop3A_102 = arith.addi %parallel_loop3A_101, %parallel_loop3A_96 : vector<16xi32>
        %parallel_loop3A_103 = tpu.vector_load_idx %arg5[%parallel_loop3A_102] : memref<16384xi32, #tpu.memory_space<vmem>>[vector<16xi32>], vector<16xi32>,
        %parallel_loop3A_104 = arith.addi %broadcast_in_dim3A_65, %parallel_loop3A_103 : vector<16xi32>
        %parallel_loop3A_105 = arith.constant 1 : i32
        %parallel_loop3A_106 = arith.addi %parallel_loop3A_88, %parallel_loop3A_105 : i32
        %parallel_loop3A_107 = vector.broadcast %parallel_loop3A_106 : i32 to vector<16xi32>
        %parallel_loop3A_108 = arith.addi %iota3A, %parallel_loop3A_107 : vector<16xi32>
        %parallel_loop3A_109 = arith.constant 511 : i32
        %parallel_loop3A_110 = vector.broadcast %parallel_loop3A_109 : i32 to vector<16xi32>
        %parallel_loop3A_111 = arith.andi %parallel_loop3A_108, %parallel_loop3A_110 : vector<16xi32>
        %parallel_loop3A_112 = arith.constant 512 : i32
        %parallel_loop3A_113 = vector.broadcast %parallel_loop3A_112 : i32 to vector<16xi32>
        %parallel_loop3A_114 = arith.muli %iota3A, %parallel_loop3A_113 : vector<16xi32>
        %parallel_loop3A_115 = vector.broadcast %mul3A_63 : i32 to vector<16xi32>
        %parallel_loop3A_116 = arith.addi %parallel_loop3A_115, %parallel_loop3A_114 : vector<16xi32>
        %parallel_loop3A_117 = arith.addi %parallel_loop3A_116, %parallel_loop3A_111 : vector<16xi32>
        %parallel_loop3A_118 = tpu.vector_load_idx %arg5[%parallel_loop3A_117] : memref<16384xi32, #tpu.memory_space<vmem>>[vector<16xi32>], vector<16xi32>,
        %parallel_loop3A_119 = arith.addi %parallel_loop3A_104, %parallel_loop3A_118 : vector<16xi32>
        %parallel_loop3A_120 = arith.constant 2 : i32
        %parallel_loop3A_121 = arith.addi %parallel_loop3A_88, %parallel_loop3A_120 : i32
        %parallel_loop3A_122 = vector.broadcast %parallel_loop3A_121 : i32 to vector<16xi32>
        %parallel_loop3A_123 = arith.addi %iota3A, %parallel_loop3A_122 : vector<16xi32>
        %parallel_loop3A_124 = arith.constant 511 : i32
        %parallel_loop3A_125 = vector.broadcast %parallel_loop3A_124 : i32 to vector<16xi32>
        %parallel_loop3A_126 = arith.andi %parallel_loop3A_123, %parallel_loop3A_125 : vector<16xi32>
        %parallel_loop3A_127 = arith.constant 512 : i32
        %parallel_loop3A_128 = vector.broadcast %parallel_loop3A_127 : i32 to vector<16xi32>
        %parallel_loop3A_129 = arith.muli %iota3A, %parallel_loop3A_128 : vector<16xi32>
        %parallel_loop3A_130 = vector.broadcast %mul3A_63 : i32 to vector<16xi32>
        %parallel_loop3A_131 = arith.addi %parallel_loop3A_130, %parallel_loop3A_129 : vector<16xi32>
        %parallel_loop3A_132 = arith.addi %parallel_loop3A_131, %parallel_loop3A_126 : vector<16xi32>
        %parallel_loop3A_133 = tpu.vector_load_idx %arg5[%parallel_loop3A_132] : memref<16384xi32, #tpu.memory_space<vmem>>[vector<16xi32>], vector<16xi32>,
        %parallel_loop3A_134 = arith.addi %parallel_loop3A_119, %parallel_loop3A_133 : vector<16xi32>
        %parallel_loop3A_135 = arith.constant 3 : i32
        %parallel_loop3A_136 = arith.addi %parallel_loop3A_88, %parallel_loop3A_135 : i32
        %parallel_loop3A_137 = vector.broadcast %parallel_loop3A_136 : i32 to vector<16xi32>
        %parallel_loop3A_138 = arith.addi %iota3A, %parallel_loop3A_137 : vector<16xi32>
        %parallel_loop3A_139 = arith.constant 511 : i32
        %parallel_loop3A_140 = vector.broadcast %parallel_loop3A_139 : i32 to vector<16xi32>
        %parallel_loop3A_141 = arith.andi %parallel_loop3A_138, %parallel_loop3A_140 : vector<16xi32>
        %parallel_loop3A_142 = arith.constant 512 : i32
        %parallel_loop3A_143 = vector.broadcast %parallel_loop3A_142 : i32 to vector<16xi32>
        %parallel_loop3A_144 = arith.muli %iota3A, %parallel_loop3A_143 : vector<16xi32>
        %parallel_loop3A_145 = vector.broadcast %mul3A_63 : i32 to vector<16xi32>
        %parallel_loop3A_146 = arith.addi %parallel_loop3A_145, %parallel_loop3A_144 : vector<16xi32>
        %parallel_loop3A_147 = arith.addi %parallel_loop3A_146, %parallel_loop3A_141 : vector<16xi32>
        %parallel_loop3A_148 = tpu.vector_load_idx %arg5[%parallel_loop3A_147] : memref<16384xi32, #tpu.memory_space<vmem>>[vector<16xi32>], vector<16xi32>,
        %parallel_loop3A_149 = arith.addi %parallel_loop3A_134, %parallel_loop3A_148 : vector<16xi32>
        %parallel_loop3A_150 = arith.constant 4 : i32
        %parallel_loop3A_151 = arith.addi %parallel_loop3A_88, %parallel_loop3A_150 : i32
        %parallel_loop3A_152 = vector.broadcast %parallel_loop3A_151 : i32 to vector<16xi32>
        %parallel_loop3A_153 = arith.addi %iota3A, %parallel_loop3A_152 : vector<16xi32>
        %parallel_loop3A_154 = arith.constant 511 : i32
        %parallel_loop3A_155 = vector.broadcast %parallel_loop3A_154 : i32 to vector<16xi32>
        %parallel_loop3A_156 = arith.andi %parallel_loop3A_153, %parallel_loop3A_155 : vector<16xi32>
        %parallel_loop3A_157 = arith.constant 512 : i32
        %parallel_loop3A_158 = vector.broadcast %parallel_loop3A_157 : i32 to vector<16xi32>
        %parallel_loop3A_159 = arith.muli %iota3A, %parallel_loop3A_158 : vector<16xi32>
        %parallel_loop3A_160 = vector.broadcast %mul3A_63 : i32 to vector<16xi32>
        %parallel_loop3A_161 = arith.addi %parallel_loop3A_160, %parallel_loop3A_159 : vector<16xi32>
        %parallel_loop3A_162 = arith.addi %parallel_loop3A_161, %parallel_loop3A_156 : vector<16xi32>
        %parallel_loop3A_163 = tpu.vector_load_idx %arg5[%parallel_loop3A_162] : memref<16384xi32, #tpu.memory_space<vmem>>[vector<16xi32>], vector<16xi32>,
        %parallel_loop3A_164 = arith.addi %parallel_loop3A_149, %parallel_loop3A_163 : vector<16xi32>
        %parallel_loop3A_165 = arith.constant 5 : i32
        %parallel_loop3A_166 = arith.addi %parallel_loop3A_88, %parallel_loop3A_165 : i32
        %parallel_loop3A_167 = vector.broadcast %parallel_loop3A_166 : i32 to vector<16xi32>
        %parallel_loop3A_168 = arith.addi %iota3A, %parallel_loop3A_167 : vector<16xi32>
        %parallel_loop3A_169 = arith.constant 511 : i32
        %parallel_loop3A_170 = vector.broadcast %parallel_loop3A_169 : i32 to vector<16xi32>
        %parallel_loop3A_171 = arith.andi %parallel_loop3A_168, %parallel_loop3A_170 : vector<16xi32>
        %parallel_loop3A_172 = arith.constant 512 : i32
        %parallel_loop3A_173 = vector.broadcast %parallel_loop3A_172 : i32 to vector<16xi32>
        %parallel_loop3A_174 = arith.muli %iota3A, %parallel_loop3A_173 : vector<16xi32>
        %parallel_loop3A_175 = vector.broadcast %mul3A_63 : i32 to vector<16xi32>
        %parallel_loop3A_176 = arith.addi %parallel_loop3A_175, %parallel_loop3A_174 : vector<16xi32>
        %parallel_loop3A_177 = arith.addi %parallel_loop3A_176, %parallel_loop3A_171 : vector<16xi32>
        %parallel_loop3A_178 = tpu.vector_load_idx %arg5[%parallel_loop3A_177] : memref<16384xi32, #tpu.memory_space<vmem>>[vector<16xi32>], vector<16xi32>,
        %parallel_loop3A_179 = arith.addi %parallel_loop3A_164, %parallel_loop3A_178 : vector<16xi32>
        %parallel_loop3A_180 = arith.constant 6 : i32
        %parallel_loop3A_181 = arith.addi %parallel_loop3A_88, %parallel_loop3A_180 : i32
        %parallel_loop3A_182 = vector.broadcast %parallel_loop3A_181 : i32 to vector<16xi32>
        %parallel_loop3A_183 = arith.addi %iota3A, %parallel_loop3A_182 : vector<16xi32>
        %parallel_loop3A_184 = arith.constant 511 : i32
        %parallel_loop3A_185 = vector.broadcast %parallel_loop3A_184 : i32 to vector<16xi32>
        %parallel_loop3A_186 = arith.andi %parallel_loop3A_183, %parallel_loop3A_185 : vector<16xi32>
        %parallel_loop3A_187 = arith.constant 512 : i32
        %parallel_loop3A_188 = vector.broadcast %parallel_loop3A_187 : i32 to vector<16xi32>
        %parallel_loop3A_189 = arith.muli %iota3A, %parallel_loop3A_188 : vector<16xi32>
        %parallel_loop3A_190 = vector.broadcast %mul3A_63 : i32 to vector<16xi32>
        %parallel_loop3A_191 = arith.addi %parallel_loop3A_190, %parallel_loop3A_189 : vector<16xi32>
        %parallel_loop3A_192 = arith.addi %parallel_loop3A_191, %parallel_loop3A_186 : vector<16xi32>
        %parallel_loop3A_193 = tpu.vector_load_idx %arg5[%parallel_loop3A_192] : memref<16384xi32, #tpu.memory_space<vmem>>[vector<16xi32>], vector<16xi32>,
        %parallel_loop3A_194 = arith.addi %parallel_loop3A_179, %parallel_loop3A_193 : vector<16xi32>
        %parallel_loop3A_195 = arith.constant 7 : i32
        %parallel_loop3A_196 = arith.addi %parallel_loop3A_88, %parallel_loop3A_195 : i32
        %parallel_loop3A_197 = vector.broadcast %parallel_loop3A_196 : i32 to vector<16xi32>
        %parallel_loop3A_198 = arith.addi %iota3A, %parallel_loop3A_197 : vector<16xi32>
        %parallel_loop3A_199 = arith.constant 511 : i32
        %parallel_loop3A_200 = vector.broadcast %parallel_loop3A_199 : i32 to vector<16xi32>
        %parallel_loop3A_201 = arith.andi %parallel_loop3A_198, %parallel_loop3A_200 : vector<16xi32>
        %parallel_loop3A_202 = arith.constant 512 : i32
        %parallel_loop3A_203 = vector.broadcast %parallel_loop3A_202 : i32 to vector<16xi32>
        %parallel_loop3A_204 = arith.muli %iota3A, %parallel_loop3A_203 : vector<16xi32>
        %parallel_loop3A_205 = vector.broadcast %mul3A_63 : i32 to vector<16xi32>
        %parallel_loop3A_206 = arith.addi %parallel_loop3A_205, %parallel_loop3A_204 : vector<16xi32>
        %parallel_loop3A_207 = arith.addi %parallel_loop3A_206, %parallel_loop3A_201 : vector<16xi32>
        %parallel_loop3A_208 = tpu.vector_load_idx %arg5[%parallel_loop3A_207] : memref<16384xi32, #tpu.memory_space<vmem>>[vector<16xi32>], vector<16xi32>,
        %parallel_loop3A_209 = arith.addi %parallel_loop3A_194, %parallel_loop3A_208 : vector<16xi32>
        %parallel_loop3A_210 = arith.addi %parallel_loop3A_89, %parallel_loop3A_209 : vector<16xi32>
        scf.yield %parallel_loop3A_210 : vector<16xi32>
      } {sc.loop_unroll_factor = 1 : i64, sc.parallel_access}
      %reduce_sum3A = arith.constant true
      %reduce_sum3A_70 = vector.broadcast %reduce_sum3A : i1 to vector<16xi1>
      %reduce_sum3A_71 = tpu.scan <sum>, %parallel_loop3A_69 masked %reduce_sum3A_70 : vector<16xi32>, vector<16xi1> -> vector<16xi32>
      %reduce_sum3A_72 = vector.extract %reduce_sum3A_71[15] : i32 from vector<16xi32>
      %broadcast_in_dim3A_73 = vector.broadcast %reduce_sum3A_72 : i32 to vector<16xi32>
      %convert_element_type3A = arith.sitofp %broadcast_in_dim3A_73 : vector<16xi32> to vector<16xf32>
      %broadcast_in_dim3A_74 = arith.constant 1.000000e+00 : f32
      %broadcast_in_dim3A_75 = vector.broadcast %broadcast_in_dim3A_74 : f32 to vector<16xf32>
      %max3A = arith.maximumf %convert_element_type3A, %broadcast_in_dim3A_75 : vector<16xf32>
      %div3A = arith.divf %broadcast_in_dim3A_75, %max3A : vector<16xf32>
      %mul3A_76 = arith.mulf %convert_element_type3A, %div3A : vector<16xf32>
      %broadcast_in_dim3A_77 = arith.constant true
      %broadcast_in_dim3A_78 = vector.broadcast %broadcast_in_dim3A_77 : i1 to vector<16xi1>
      %masked_cumsum3A = tpu.scan <sum>, %parallel_loop3A_69 masked %broadcast_in_dim3A_78 : vector<16xi32>, vector<16xi1> -> vector<16xi32>
      %broadcast_in_dim3A_79 = arith.constant 0 : i32
      %broadcast_in_dim3A_80 = vector.broadcast %broadcast_in_dim3A_79 : i32 to vector<16xi32>
      %scan3A_81 = arith.constant 0 : i32
      %scan3A_82 = arith.constant 3 : i32
      %scan3A_83 = arith.addi %scan3A_81, %scan3A_82 : i32
      %scan3A_84 = arith.constant 1 : i32
      %scan3A_85 = scf.for %scan3A_88 = %scan3A_81 to %scan3A_83 step %scan3A_84 iter_args(%scan3A_89 = %broadcast_in_dim3A_80) -> (vector<16xi32>)  : i32 {
        %eq3A_90 = vector.broadcast %scan3A_88 : i32 to vector<16xi32>
        %eq3A_91 = arith.cmpi eq, %iota3A, %eq3A_90 : vector<16xi32>
        %jit3A = arith.constant 0.000000e+00 : f32
        %broadcast_in_dim3A_92 = vector.broadcast %jit3A : f32 to vector<16xf32>
        %select_n3A_93 = arith.select %eq3A_91, %select_n3A, %broadcast_in_dim3A_92 : vector<16xi1>, vector<16xf32>
        %reduce_sum3A_94 = arith.constant true
        %reduce_sum3A_95 = vector.broadcast %reduce_sum3A_94 : i1 to vector<16xi1>
        %reduce_sum3A_96 = tpu.scan <sum>, %select_n3A_93 masked %reduce_sum3A_95 : vector<16xf32>, vector<16xi1> -> vector<16xf32>
        %reduce_sum3A_97 = vector.extract %reduce_sum3A_96[15] : f32 from vector<16xf32>
        %sub3A = vector.broadcast %reduce_sum3A_97 : f32 to vector<16xf32>
        %sub3A_98 = arith.subf %broadcast_in_dim3A_75, %sub3A : vector<16xf32>
        %mul3A_99 = arith.mulf %mul3A_76, %sub3A_98 : vector<16xf32>
        %mul3A_100 = arith.mulf %mul3A_99, %convert_element_type3A : vector<16xf32>
        %convert_element_type3A_101 = arith.fptosi %mul3A_100 : vector<16xf32> to vector<16xi32>
        %reduce_max3A = arith.constant true
        %reduce_max3A_102 = vector.broadcast %reduce_max3A : i1 to vector<16xi1>
        %reduce_max3A_103 = arith.constant -2147483648 : i32
        %reduce_max3A_104 = vector.broadcast %reduce_max3A_103 : i32 to vector<16xi32>
        %reduce_max3A_105 = arith.xori %convert_element_type3A_101, %reduce_max3A_104 : vector<16xi32>
        %reduce_max3A_106 = tpu.scan <max>, %reduce_max3A_105 masked %reduce_max3A_102 : vector<16xi32>, vector<16xi1> -> vector<16xi32>
        %reduce_max3A_107 = arith.xori %reduce_max3A_106, %reduce_max3A_104 : vector<16xi32>
        %reduce_max3A_108 = vector.extract %reduce_max3A_107[15] : i32 from vector<16xi32>
        %sub3A_109 = arith.constant 8 : i32
        %sub3A_110 = arith.subi %reduce_max3A_108, %sub3A_109 : i32
        %max3A_111 = arith.constant 0 : i32
        %max3A_112 = arith.maxsi %sub3A_110, %max3A_111 : i32
        %add3A_113 = arith.constant 1 : i32
        %add3A_114 = arith.addi %max3A_112, %add3A_113 : i32
        %add3A_115 = vector.broadcast %add3A_114 : i32 to vector<16xi32>
        %add3A_116 = arith.addi %add3A_115, %iota3A : vector<16xi32>
        %convert_element_type3A_117 = arith.sitofp %add3A_116 : vector<16xi32> to vector<16xf32>
        %mul3A_118 = arith.mulf %convert_element_type3A_117, %div3A : vector<16xf32>
        %lt3A_119 = arith.cmpf olt, %mul3A_118, %mul3A_99 : vector<16xf32>
        %le3A = vector.broadcast %reduce_sum3A_72 : i32 to vector<16xi32>
        %le3A_120 = arith.cmpi sle, %add3A_116, %le3A : vector<16xi32>
        %and3A = arith.andi %lt3A_119, %le3A_120 : vector<16xi1>
        %jit3A_121 = arith.constant 1 : i32
        %jit3A_122 = arith.constant 0 : i32
        %broadcast_in_dim3A_123 = vector.broadcast %jit3A_121 : i32 to vector<16xi32>
        %broadcast_in_dim3A_124 = vector.broadcast %jit3A_122 : i32 to vector<16xi32>
        %select_n3A_125 = arith.select %and3A, %broadcast_in_dim3A_123, %broadcast_in_dim3A_124 : vector<16xi1>, vector<16xi32>
        %reduce_sum3A_126 = arith.constant true
        %reduce_sum3A_127 = vector.broadcast %reduce_sum3A_126 : i1 to vector<16xi1>
        %reduce_sum3A_128 = tpu.scan <sum>, %select_n3A_125 masked %reduce_sum3A_127 : vector<16xi32>, vector<16xi1> -> vector<16xi32>
        %reduce_sum3A_129 = vector.extract %reduce_sum3A_128[15] : i32 from vector<16xi32>
        %add3A_130 = arith.addi %max3A_112, %reduce_sum3A_129 : i32
        %add3A_131 = arith.constant 1 : i32
        %add3A_132 = arith.addi %add3A_130, %add3A_131 : i32
        %ge3A = vector.broadcast %add3A_132 : i32 to vector<16xi32>
        %ge3A_133 = arith.cmpi sge, %masked_cumsum3A, %ge3A : vector<16xi32>
        %jit3A_134 = arith.constant 16 : i32
        %broadcast_in_dim3A_135 = vector.broadcast %jit3A_134 : i32 to vector<16xi32>
        %select_n3A_136 = arith.select %ge3A_133, %iota3A, %broadcast_in_dim3A_135 : vector<16xi1>, vector<16xi32>
        %reduce_min3A = arith.constant true
        %reduce_min3A_137 = vector.broadcast %reduce_min3A : i1 to vector<16xi1>
        %reduce_min3A_138 = arith.constant -2147483648 : i32
        %reduce_min3A_139 = vector.broadcast %reduce_min3A_138 : i32 to vector<16xi32>
        %reduce_min3A_140 = arith.xori %select_n3A_136, %reduce_min3A_139 : vector<16xi32>
        %reduce_min3A_141 = tpu.scan <min>, %reduce_min3A_140 masked %reduce_min3A_137 : vector<16xi32>, vector<16xi1> -> vector<16xi32>
        %reduce_min3A_142 = arith.xori %reduce_min3A_141, %reduce_min3A_139 : vector<16xi32>
        %reduce_min3A_143 = vector.extract %reduce_min3A_142[15] : i32 from vector<16xi32>
        %min3A = arith.constant 15 : i32
        %min3A_144 = arith.minsi %reduce_min3A_143, %min3A : i32
        %lt3A_145 = vector.broadcast %min3A_144 : i32 to vector<16xi32>
        %lt3A_146 = arith.cmpi slt, %iota3A, %lt3A_145 : vector<16xi32>
        %jit3A_147 = arith.constant 0 : i32
        %broadcast_in_dim3A_148 = vector.broadcast %jit3A_147 : i32 to vector<16xi32>
        %select_n3A_149 = arith.select %lt3A_146, %parallel_loop3A_69, %broadcast_in_dim3A_148 : vector<16xi1>, vector<16xi32>
        %reduce_sum3A_150 = arith.constant true
        %reduce_sum3A_151 = vector.broadcast %reduce_sum3A_150 : i1 to vector<16xi1>
        %reduce_sum3A_152 = tpu.scan <sum>, %select_n3A_149 masked %reduce_sum3A_151 : vector<16xi32>, vector<16xi1> -> vector<16xi32>
        %reduce_sum3A_153 = vector.extract %reduce_sum3A_152[15] : i32 from vector<16xi32>
        %sub3A_154 = arith.subi %add3A_132, %reduce_sum3A_153 : i32
        %parallel_loop3A_155 = arith.constant 0 : i32
        %parallel_loop3A_156 = arith.constant 32 : i32
        %parallel_loop3A_157 = arith.constant 8 : i32
        %parallel_loop3A_158 = scf.for %parallel_loop3A_258 = %parallel_loop3A_155 to %parallel_loop3A_156 step %parallel_loop3A_157 iter_args(%parallel_loop3A_259 = %broadcast_in_dim3A_65) -> (vector<16xi32>)  : i32 {
          %parallel_loop3A_260 = arith.constant 0 : i32
          %parallel_loop3A_261 = arith.addi %parallel_loop3A_258, %parallel_loop3A_260 : i32
          %parallel_loop3A_262 = vector.broadcast %parallel_loop3A_261 : i32 to vector<16xi32>
          %parallel_loop3A_263 = arith.addi %iota3A, %parallel_loop3A_262 : vector<16xi32>
          %parallel_loop3A_264 = arith.constant 31 : i32
          %parallel_loop3A_265 = vector.broadcast %parallel_loop3A_264 : i32 to vector<16xi32>
          %parallel_loop3A_266 = arith.andi %parallel_loop3A_263, %parallel_loop3A_265 : vector<16xi32>
          %parallel_loop3A_267 = arith.constant 512 : i32
          %parallel_loop3A_268 = arith.muli %min3A_144, %parallel_loop3A_267 : i32
          %parallel_loop3A_269 = arith.addi %mul3A_63, %parallel_loop3A_268 : i32
          %parallel_loop3A_270 = arith.constant 32 : i32
          %parallel_loop3A_271 = vector.broadcast %parallel_loop3A_270 : i32 to vector<16xi32>
          %parallel_loop3A_272 = arith.muli %iota3A, %parallel_loop3A_271 : vector<16xi32>
          %parallel_loop3A_273 = vector.broadcast %parallel_loop3A_269 : i32 to vector<16xi32>
          %parallel_loop3A_274 = arith.addi %parallel_loop3A_273, %parallel_loop3A_272 : vector<16xi32>
          %parallel_loop3A_275 = arith.addi %parallel_loop3A_274, %parallel_loop3A_266 : vector<16xi32>
          %parallel_loop3A_276 = tpu.vector_load_idx %arg5[%parallel_loop3A_275] : memref<16384xi32, #tpu.memory_space<vmem>>[vector<16xi32>], vector<16xi32>,
          %parallel_loop3A_277 = arith.addi %broadcast_in_dim3A_65, %parallel_loop3A_276 : vector<16xi32>
          %parallel_loop3A_278 = arith.constant 1 : i32
          %parallel_loop3A_279 = arith.addi %parallel_loop3A_258, %parallel_loop3A_278 : i32
          %parallel_loop3A_280 = vector.broadcast %parallel_loop3A_279 : i32 to vector<16xi32>
          %parallel_loop3A_281 = arith.addi %iota3A, %parallel_loop3A_280 : vector<16xi32>
          %parallel_loop3A_282 = arith.constant 31 : i32
          %parallel_loop3A_283 = vector.broadcast %parallel_loop3A_282 : i32 to vector<16xi32>
          %parallel_loop3A_284 = arith.andi %parallel_loop3A_281, %parallel_loop3A_283 : vector<16xi32>
          %parallel_loop3A_285 = arith.constant 512 : i32
          %parallel_loop3A_286 = arith.muli %min3A_144, %parallel_loop3A_285 : i32
          %parallel_loop3A_287 = arith.addi %mul3A_63, %parallel_loop3A_286 : i32
          %parallel_loop3A_288 = arith.constant 32 : i32
          %parallel_loop3A_289 = vector.broadcast %parallel_loop3A_288 : i32 to vector<16xi32>
          %parallel_loop3A_290 = arith.muli %iota3A, %parallel_loop3A_289 : vector<16xi32>
          %parallel_loop3A_291 = vector.broadcast %parallel_loop3A_287 : i32 to vector<16xi32>
          %parallel_loop3A_292 = arith.addi %parallel_loop3A_291, %parallel_loop3A_290 : vector<16xi32>
          %parallel_loop3A_293 = arith.addi %parallel_loop3A_292, %parallel_loop3A_284 : vector<16xi32>
          %parallel_loop3A_294 = tpu.vector_load_idx %arg5[%parallel_loop3A_293] : memref<16384xi32, #tpu.memory_space<vmem>>[vector<16xi32>], vector<16xi32>,
          %parallel_loop3A_295 = arith.addi %parallel_loop3A_277, %parallel_loop3A_294 : vector<16xi32>
          %parallel_loop3A_296 = arith.constant 2 : i32
          %parallel_loop3A_297 = arith.addi %parallel_loop3A_258, %parallel_loop3A_296 : i32
          %parallel_loop3A_298 = vector.broadcast %parallel_loop3A_297 : i32 to vector<16xi32>
          %parallel_loop3A_299 = arith.addi %iota3A, %parallel_loop3A_298 : vector<16xi32>
          %parallel_loop3A_300 = arith.constant 31 : i32
          %parallel_loop3A_301 = vector.broadcast %parallel_loop3A_300 : i32 to vector<16xi32>
          %parallel_loop3A_302 = arith.andi %parallel_loop3A_299, %parallel_loop3A_301 : vector<16xi32>
          %parallel_loop3A_303 = arith.constant 512 : i32
          %parallel_loop3A_304 = arith.muli %min3A_144, %parallel_loop3A_303 : i32
          %parallel_loop3A_305 = arith.addi %mul3A_63, %parallel_loop3A_304 : i32
          %parallel_loop3A_306 = arith.constant 32 : i32
          %parallel_loop3A_307 = vector.broadcast %parallel_loop3A_306 : i32 to vector<16xi32>
          %parallel_loop3A_308 = arith.muli %iota3A, %parallel_loop3A_307 : vector<16xi32>
          %parallel_loop3A_309 = vector.broadcast %parallel_loop3A_305 : i32 to vector<16xi32>
          %parallel_loop3A_310 = arith.addi %parallel_loop3A_309, %parallel_loop3A_308 : vector<16xi32>
          %parallel_loop3A_311 = arith.addi %parallel_loop3A_310, %parallel_loop3A_302 : vector<16xi32>
          %parallel_loop3A_312 = tpu.vector_load_idx %arg5[%parallel_loop3A_311] : memref<16384xi32, #tpu.memory_space<vmem>>[vector<16xi32>], vector<16xi32>,
          %parallel_loop3A_313 = arith.addi %parallel_loop3A_295, %parallel_loop3A_312 : vector<16xi32>
          %parallel_loop3A_314 = arith.constant 3 : i32
          %parallel_loop3A_315 = arith.addi %parallel_loop3A_258, %parallel_loop3A_314 : i32
          %parallel_loop3A_316 = vector.broadcast %parallel_loop3A_315 : i32 to vector<16xi32>
          %parallel_loop3A_317 = arith.addi %iota3A, %parallel_loop3A_316 : vector<16xi32>
          %parallel_loop3A_318 = arith.constant 31 : i32
          %parallel_loop3A_319 = vector.broadcast %parallel_loop3A_318 : i32 to vector<16xi32>
          %parallel_loop3A_320 = arith.andi %parallel_loop3A_317, %parallel_loop3A_319 : vector<16xi32>
          %parallel_loop3A_321 = arith.constant 512 : i32
          %parallel_loop3A_322 = arith.muli %min3A_144, %parallel_loop3A_321 : i32
          %parallel_loop3A_323 = arith.addi %mul3A_63, %parallel_loop3A_322 : i32
          %parallel_loop3A_324 = arith.constant 32 : i32
          %parallel_loop3A_325 = vector.broadcast %parallel_loop3A_324 : i32 to vector<16xi32>
          %parallel_loop3A_326 = arith.muli %iota3A, %parallel_loop3A_325 : vector<16xi32>
          %parallel_loop3A_327 = vector.broadcast %parallel_loop3A_323 : i32 to vector<16xi32>
          %parallel_loop3A_328 = arith.addi %parallel_loop3A_327, %parallel_loop3A_326 : vector<16xi32>
          %parallel_loop3A_329 = arith.addi %parallel_loop3A_328, %parallel_loop3A_320 : vector<16xi32>
          %parallel_loop3A_330 = tpu.vector_load_idx %arg5[%parallel_loop3A_329] : memref<16384xi32, #tpu.memory_space<vmem>>[vector<16xi32>], vector<16xi32>,
          %parallel_loop3A_331 = arith.addi %parallel_loop3A_313, %parallel_loop3A_330 : vector<16xi32>
          %parallel_loop3A_332 = arith.constant 4 : i32
          %parallel_loop3A_333 = arith.addi %parallel_loop3A_258, %parallel_loop3A_332 : i32
          %parallel_loop3A_334 = vector.broadcast %parallel_loop3A_333 : i32 to vector<16xi32>
          %parallel_loop3A_335 = arith.addi %iota3A, %parallel_loop3A_334 : vector<16xi32>
          %parallel_loop3A_336 = arith.constant 31 : i32
          %parallel_loop3A_337 = vector.broadcast %parallel_loop3A_336 : i32 to vector<16xi32>
          %parallel_loop3A_338 = arith.andi %parallel_loop3A_335, %parallel_loop3A_337 : vector<16xi32>
          %parallel_loop3A_339 = arith.constant 512 : i32
          %parallel_loop3A_340 = arith.muli %min3A_144, %parallel_loop3A_339 : i32
          %parallel_loop3A_341 = arith.addi %mul3A_63, %parallel_loop3A_340 : i32
          %parallel_loop3A_342 = arith.constant 32 : i32
          %parallel_loop3A_343 = vector.broadcast %parallel_loop3A_342 : i32 to vector<16xi32>
          %parallel_loop3A_344 = arith.muli %iota3A, %parallel_loop3A_343 : vector<16xi32>
          %parallel_loop3A_345 = vector.broadcast %parallel_loop3A_341 : i32 to vector<16xi32>
          %parallel_loop3A_346 = arith.addi %parallel_loop3A_345, %parallel_loop3A_344 : vector<16xi32>
          %parallel_loop3A_347 = arith.addi %parallel_loop3A_346, %parallel_loop3A_338 : vector<16xi32>
          %parallel_loop3A_348 = tpu.vector_load_idx %arg5[%parallel_loop3A_347] : memref<16384xi32, #tpu.memory_space<vmem>>[vector<16xi32>], vector<16xi32>,
          %parallel_loop3A_349 = arith.addi %parallel_loop3A_331, %parallel_loop3A_348 : vector<16xi32>
          %parallel_loop3A_350 = arith.constant 5 : i32
          %parallel_loop3A_351 = arith.addi %parallel_loop3A_258, %parallel_loop3A_350 : i32
          %parallel_loop3A_352 = vector.broadcast %parallel_loop3A_351 : i32 to vector<16xi32>
          %parallel_loop3A_353 = arith.addi %iota3A, %parallel_loop3A_352 : vector<16xi32>
          %parallel_loop3A_354 = arith.constant 31 : i32
          %parallel_loop3A_355 = vector.broadcast %parallel_loop3A_354 : i32 to vector<16xi32>
          %parallel_loop3A_356 = arith.andi %parallel_loop3A_353, %parallel_loop3A_355 : vector<16xi32>
          %parallel_loop3A_357 = arith.constant 512 : i32
          %parallel_loop3A_358 = arith.muli %min3A_144, %parallel_loop3A_357 : i32
          %parallel_loop3A_359 = arith.addi %mul3A_63, %parallel_loop3A_358 : i32
          %parallel_loop3A_360 = arith.constant 32 : i32
          %parallel_loop3A_361 = vector.broadcast %parallel_loop3A_360 : i32 to vector<16xi32>
          %parallel_loop3A_362 = arith.muli %iota3A, %parallel_loop3A_361 : vector<16xi32>
          %parallel_loop3A_363 = vector.broadcast %parallel_loop3A_359 : i32 to vector<16xi32>
          %parallel_loop3A_364 = arith.addi %parallel_loop3A_363, %parallel_loop3A_362 : vector<16xi32>
          %parallel_loop3A_365 = arith.addi %parallel_loop3A_364, %parallel_loop3A_356 : vector<16xi32>
          %parallel_loop3A_366 = tpu.vector_load_idx %arg5[%parallel_loop3A_365] : memref<16384xi32, #tpu.memory_space<vmem>>[vector<16xi32>], vector<16xi32>,
          %parallel_loop3A_367 = arith.addi %parallel_loop3A_349, %parallel_loop3A_366 : vector<16xi32>
          %parallel_loop3A_368 = arith.constant 6 : i32
          %parallel_loop3A_369 = arith.addi %parallel_loop3A_258, %parallel_loop3A_368 : i32
          %parallel_loop3A_370 = vector.broadcast %parallel_loop3A_369 : i32 to vector<16xi32>
          %parallel_loop3A_371 = arith.addi %iota3A, %parallel_loop3A_370 : vector<16xi32>
          %parallel_loop3A_372 = arith.constant 31 : i32
          %parallel_loop3A_373 = vector.broadcast %parallel_loop3A_372 : i32 to vector<16xi32>
          %parallel_loop3A_374 = arith.andi %parallel_loop3A_371, %parallel_loop3A_373 : vector<16xi32>
          %parallel_loop3A_375 = arith.constant 512 : i32
          %parallel_loop3A_376 = arith.muli %min3A_144, %parallel_loop3A_375 : i32
          %parallel_loop3A_377 = arith.addi %mul3A_63, %parallel_loop3A_376 : i32
          %parallel_loop3A_378 = arith.constant 32 : i32
          %parallel_loop3A_379 = vector.broadcast %parallel_loop3A_378 : i32 to vector<16xi32>
          %parallel_loop3A_380 = arith.muli %iota3A, %parallel_loop3A_379 : vector<16xi32>
          %parallel_loop3A_381 = vector.broadcast %parallel_loop3A_377 : i32 to vector<16xi32>
          %parallel_loop3A_382 = arith.addi %parallel_loop3A_381, %parallel_loop3A_380 : vector<16xi32>
          %parallel_loop3A_383 = arith.addi %parallel_loop3A_382, %parallel_loop3A_374 : vector<16xi32>
          %parallel_loop3A_384 = tpu.vector_load_idx %arg5[%parallel_loop3A_383] : memref<16384xi32, #tpu.memory_space<vmem>>[vector<16xi32>], vector<16xi32>,
          %parallel_loop3A_385 = arith.addi %parallel_loop3A_367, %parallel_loop3A_384 : vector<16xi32>
          %parallel_loop3A_386 = arith.constant 7 : i32
          %parallel_loop3A_387 = arith.addi %parallel_loop3A_258, %parallel_loop3A_386 : i32
          %parallel_loop3A_388 = vector.broadcast %parallel_loop3A_387 : i32 to vector<16xi32>
          %parallel_loop3A_389 = arith.addi %iota3A, %parallel_loop3A_388 : vector<16xi32>
          %parallel_loop3A_390 = arith.constant 31 : i32
          %parallel_loop3A_391 = vector.broadcast %parallel_loop3A_390 : i32 to vector<16xi32>
          %parallel_loop3A_392 = arith.andi %parallel_loop3A_389, %parallel_loop3A_391 : vector<16xi32>
          %parallel_loop3A_393 = arith.constant 512 : i32
          %parallel_loop3A_394 = arith.muli %min3A_144, %parallel_loop3A_393 : i32
          %parallel_loop3A_395 = arith.addi %mul3A_63, %parallel_loop3A_394 : i32
          %parallel_loop3A_396 = arith.constant 32 : i32
          %parallel_loop3A_397 = vector.broadcast %parallel_loop3A_396 : i32 to vector<16xi32>
          %parallel_loop3A_398 = arith.muli %iota3A, %parallel_loop3A_397 : vector<16xi32>
          %parallel_loop3A_399 = vector.broadcast %parallel_loop3A_395 : i32 to vector<16xi32>
          %parallel_loop3A_400 = arith.addi %parallel_loop3A_399, %parallel_loop3A_398 : vector<16xi32>
          %parallel_loop3A_401 = arith.addi %parallel_loop3A_400, %parallel_loop3A_392 : vector<16xi32>
          %parallel_loop3A_402 = tpu.vector_load_idx %arg5[%parallel_loop3A_401] : memref<16384xi32, #tpu.memory_space<vmem>>[vector<16xi32>], vector<16xi32>,
          %parallel_loop3A_403 = arith.addi %parallel_loop3A_385, %parallel_loop3A_402 : vector<16xi32>
          %parallel_loop3A_404 = arith.addi %parallel_loop3A_259, %parallel_loop3A_403 : vector<16xi32>
          scf.yield %parallel_loop3A_404 : vector<16xi32>
        } {sc.loop_unroll_factor = 1 : i64, sc.parallel_access}
        %broadcast_in_dim3A_159 = arith.constant true
        %broadcast_in_dim3A_160 = vector.broadcast %broadcast_in_dim3A_159 : i1 to vector<16xi1>
        %masked_cumsum3A_161 = tpu.scan <sum>, %parallel_loop3A_158 masked %broadcast_in_dim3A_160 : vector<16xi32>, vector<16xi1> -> vector<16xi32>
        %ge3A_162 = vector.broadcast %sub3A_154 : i32 to vector<16xi32>
        %ge3A_163 = arith.cmpi sge, %masked_cumsum3A_161, %ge3A_162 : vector<16xi32>
        %jit3A_164 = arith.constant 16 : i32
        %broadcast_in_dim3A_165 = vector.broadcast %jit3A_164 : i32 to vector<16xi32>
        %select_n3A_166 = arith.select %ge3A_163, %iota3A, %broadcast_in_dim3A_165 : vector<16xi1>, vector<16xi32>
        %reduce_min3A_167 = arith.constant true
        %reduce_min3A_168 = vector.broadcast %reduce_min3A_167 : i1 to vector<16xi1>
        %reduce_min3A_169 = arith.constant -2147483648 : i32
        %reduce_min3A_170 = vector.broadcast %reduce_min3A_169 : i32 to vector<16xi32>
        %reduce_min3A_171 = arith.xori %select_n3A_166, %reduce_min3A_170 : vector<16xi32>
        %reduce_min3A_172 = tpu.scan <min>, %reduce_min3A_171 masked %reduce_min3A_168 : vector<16xi32>, vector<16xi1> -> vector<16xi32>
        %reduce_min3A_173 = arith.xori %reduce_min3A_172, %reduce_min3A_170 : vector<16xi32>
        %reduce_min3A_174 = vector.extract %reduce_min3A_173[15] : i32 from vector<16xi32>
        %min3A_175 = arith.constant 15 : i32
        %min3A_176 = arith.minsi %reduce_min3A_174, %min3A_175 : i32
        %lt3A_177 = vector.broadcast %min3A_176 : i32 to vector<16xi32>
        %lt3A_178 = arith.cmpi slt, %iota3A, %lt3A_177 : vector<16xi32>
        %jit3A_179 = arith.constant 0 : i32
        %broadcast_in_dim3A_180 = vector.broadcast %jit3A_179 : i32 to vector<16xi32>
        %select_n3A_181 = arith.select %lt3A_178, %parallel_loop3A_158, %broadcast_in_dim3A_180 : vector<16xi1>, vector<16xi32>
        %reduce_sum3A_182 = arith.constant true
        %reduce_sum3A_183 = vector.broadcast %reduce_sum3A_182 : i1 to vector<16xi1>
        %reduce_sum3A_184 = tpu.scan <sum>, %select_n3A_181 masked %reduce_sum3A_183 : vector<16xi32>, vector<16xi1> -> vector<16xi32>
        %reduce_sum3A_185 = vector.extract %reduce_sum3A_184[15] : i32 from vector<16xi32>
        %sub3A_186 = arith.subi %sub3A_154, %reduce_sum3A_185 : i32
        %mul3A_187 = arith.constant 512 : i32
        %mul3A_188 = arith.muli %min3A_144, %mul3A_187 : i32
        %mul3A_189 = arith.constant 32 : i32
        %mul3A_190 = arith.muli %min3A_176, %mul3A_189 : i32
        %add3A_191 = arith.addi %mul3A_188, %mul3A_190 : i32
        %add3A_192 = arith.addi %mul3A_63, %add3A_191 : i32
        %add3A_193 = vector.broadcast %add3A_192 : i32 to vector<16xi32>
        %add3A_194 = arith.addi %add3A_193, %iota3A : vector<16xi32>
        %gather3A = tpu.vector_load_idx %arg5[%add3A_194] : memref<16384xi32, #tpu.memory_space<vmem>>[vector<16xi32>], vector<16xi32>,
        %add3A_195 = arith.addi %mul3A_63, %add3A_191 : i32
        %add3A_196 = arith.constant 16 : i32
        %add3A_197 = arith.addi %add3A_195, %add3A_196 : i32
        %add3A_198 = vector.broadcast %add3A_197 : i32 to vector<16xi32>
        %add3A_199 = arith.addi %add3A_198, %iota3A : vector<16xi32>
        %gather3A_200 = tpu.vector_load_idx %arg5[%add3A_199] : memref<16384xi32, #tpu.memory_space<vmem>>[vector<16xi32>], vector<16xi32>,
        %broadcast_in_dim3A_201 = arith.constant true
        %broadcast_in_dim3A_202 = vector.broadcast %broadcast_in_dim3A_201 : i1 to vector<16xi1>
        %masked_cumsum3A_203 = tpu.scan <sum>, %gather3A masked %broadcast_in_dim3A_202 : vector<16xi32>, vector<16xi1> -> vector<16xi32>
        %broadcast_in_dim3A_204 = arith.constant true
        %broadcast_in_dim3A_205 = vector.broadcast %broadcast_in_dim3A_204 : i1 to vector<16xi1>
        %masked_cumsum3A_206 = tpu.scan <sum>, %gather3A_200 masked %broadcast_in_dim3A_205 : vector<16xi32>, vector<16xi1> -> vector<16xi32>
        %reduce_max3A_207 = arith.constant true
        %reduce_max3A_208 = vector.broadcast %reduce_max3A_207 : i1 to vector<16xi1>
        %reduce_max3A_209 = arith.constant -2147483648 : i32
        %reduce_max3A_210 = vector.broadcast %reduce_max3A_209 : i32 to vector<16xi32>
        %reduce_max3A_211 = arith.xori %masked_cumsum3A_203, %reduce_max3A_210 : vector<16xi32>
        %reduce_max3A_212 = tpu.scan <max>, %reduce_max3A_211 masked %reduce_max3A_208 : vector<16xi32>, vector<16xi1> -> vector<16xi32>
        %reduce_max3A_213 = arith.xori %reduce_max3A_212, %reduce_max3A_210 : vector<16xi32>
        %reduce_max3A_214 = vector.extract %reduce_max3A_213[15] : i32 from vector<16xi32>
        %ge3A_215 = vector.broadcast %sub3A_186 : i32 to vector<16xi32>
        %ge3A_216 = arith.cmpi sge, %masked_cumsum3A_203, %ge3A_215 : vector<16xi32>
        %jit3A_217 = arith.constant 16 : i32
        %broadcast_in_dim3A_218 = vector.broadcast %jit3A_217 : i32 to vector<16xi32>
        %select_n3A_219 = arith.select %ge3A_216, %iota3A, %broadcast_in_dim3A_218 : vector<16xi1>, vector<16xi32>
        %reduce_min3A_220 = arith.constant true
        %reduce_min3A_221 = vector.broadcast %reduce_min3A_220 : i1 to vector<16xi1>
        %reduce_min3A_222 = arith.constant -2147483648 : i32
        %reduce_min3A_223 = vector.broadcast %reduce_min3A_222 : i32 to vector<16xi32>
        %reduce_min3A_224 = arith.xori %select_n3A_219, %reduce_min3A_223 : vector<16xi32>
        %reduce_min3A_225 = tpu.scan <min>, %reduce_min3A_224 masked %reduce_min3A_221 : vector<16xi32>, vector<16xi1> -> vector<16xi32>
        %reduce_min3A_226 = arith.xori %reduce_min3A_225, %reduce_min3A_223 : vector<16xi32>
        %reduce_min3A_227 = vector.extract %reduce_min3A_226[15] : i32 from vector<16xi32>
        %sub3A_228 = arith.subi %sub3A_186, %reduce_max3A_214 : i32
        %ge3A_229 = vector.broadcast %sub3A_228 : i32 to vector<16xi32>
        %ge3A_230 = arith.cmpi sge, %masked_cumsum3A_206, %ge3A_229 : vector<16xi32>
        %jit3A_231 = arith.constant 16 : i32
        %broadcast_in_dim3A_232 = vector.broadcast %jit3A_231 : i32 to vector<16xi32>
        %select_n3A_233 = arith.select %ge3A_230, %iota3A, %broadcast_in_dim3A_232 : vector<16xi1>, vector<16xi32>
        %reduce_min3A_234 = arith.constant true
        %reduce_min3A_235 = vector.broadcast %reduce_min3A_234 : i1 to vector<16xi1>
        %reduce_min3A_236 = arith.constant -2147483648 : i32
        %reduce_min3A_237 = vector.broadcast %reduce_min3A_236 : i32 to vector<16xi32>
        %reduce_min3A_238 = arith.xori %select_n3A_233, %reduce_min3A_237 : vector<16xi32>
        %reduce_min3A_239 = tpu.scan <min>, %reduce_min3A_238 masked %reduce_min3A_235 : vector<16xi32>, vector<16xi1> -> vector<16xi32>
        %reduce_min3A_240 = arith.xori %reduce_min3A_239, %reduce_min3A_237 : vector<16xi32>
        %reduce_min3A_241 = vector.extract %reduce_min3A_240[15] : i32 from vector<16xi32>
        %le3A_242 = arith.cmpi sle, %sub3A_186, %reduce_max3A_214 : i32
        %min3A_243 = arith.constant 15 : i32
        %min3A_244 = arith.minsi %reduce_min3A_227, %min3A_243 : i32
        %min3A_245 = arith.constant 15 : i32
        %min3A_246 = arith.minsi %reduce_min3A_241, %min3A_245 : i32
        %add3A_247 = arith.constant 16 : i32
        %add3A_248 = arith.addi %add3A_247, %min3A_246 : i32
        %select_n3A_249 = arith.select %le3A_242, %min3A_244, %add3A_248 : i32
        %add3A_250 = arith.addi %add3A_191, %select_n3A_249 : i32
        %gt3A = arith.constant 0 : i32
        %gt3A_251 = arith.cmpi sgt, %reduce_sum3A_72, %gt3A : i32
        %jit3A_252 = arith.constant 0 : i32
        %select_n3A_253 = arith.select %gt3A_251, %add3A_250, %jit3A_252 : i32
        %eq3A_254 = vector.broadcast %scan3A_88 : i32 to vector<16xi32>
        %eq3A_255 = arith.cmpi eq, %iota3A, %eq3A_254 : vector<16xi32>
        %broadcast_in_dim3A_256 = vector.broadcast %select_n3A_253 : i32 to vector<16xi32>
        %select_n3A_257 = arith.select %eq3A_255, %broadcast_in_dim3A_256, %scan3A_89 : vector<16xi1>, vector<16xi32>
        scf.yield %select_n3A_257 : vector<16xi32>
      }
      %scan3A_86 = arith.constant 3 : i32
      tpu.vector_store_idx %arg6[%scan3A_85], %broadcast_in_dim3A_32 masked %lt3A_30 : memref<8192xi32, #tpu.memory_space<vmem>>[vector<16xi32>], vector<16xi32>, vector<16xi1>
      %add3A_87 = arith.addi %mul3A_3, %scan3A_60 : i32
      "tpu.region"() ({
        %run_scoped3A = tpu.sem_alloc : memref<!tpu.dma_semaphore, #tpu.memory_space<semaphore_mem>>
        %dma_start3A_88 = arith.constant 0 : i32
        %dma_start3A_89 = tpu.memref_slice %arg4[%add3A_87, %dma_start3A_88] : memref<64x8192xi32, #tpu.memory_space<hbm>> -> memref<1x8192xi32, #tpu.memory_space<hbm>>
        %dma_start3A_90 = tpu.memref_squeeze %dma_start3A_89 : memref<1x8192xi32, #tpu.memory_space<hbm>> -> memref<8192xi32, #tpu.memory_space<hbm>>
        %dma_start3A_91 = arith.constant 0 : i32
        %dma_start3A_92 = tpu.memref_slice %arg4[%add3A_87, %dma_start3A_91] : memref<64x8192xi32, #tpu.memory_space<hbm>> -> memref<1x8192xi32, #tpu.memory_space<hbm>>
        %dma_start3A_93 = tpu.memref_squeeze %dma_start3A_92 : memref<1x8192xi32, #tpu.memory_space<hbm>> -> memref<8192xi32, #tpu.memory_space<hbm>>
        tpu.enqueue_dma source(%arg6 : memref<8192xi32, #tpu.memory_space<vmem>>) target(%dma_start3A_93 : memref<8192xi32, #tpu.memory_space<hbm>>) target_semaphore(%run_scoped3A : memref<!tpu.dma_semaphore, #tpu.memory_space<semaphore_mem>>)
        %dma_wait3A_94 = arith.constant 0 : i32
        %dma_wait3A_95 = tpu.memref_slice %arg4[%add3A_87, %dma_wait3A_94] : memref<64x8192xi32, #tpu.memory_space<hbm>> -> memref<1x8192xi32, #tpu.memory_space<hbm>>
        %dma_wait3A_96 = tpu.memref_squeeze %dma_wait3A_95 : memref<1x8192xi32, #tpu.memory_space<hbm>> -> memref<8192xi32, #tpu.memory_space<hbm>>
        %dma_wait3A_97 = arith.constant 0 : i32
        %dma_wait3A_98 = tpu.memref_slice %arg4[%add3A_87, %dma_wait3A_97] : memref<64x8192xi32, #tpu.memory_space<hbm>> -> memref<1x8192xi32, #tpu.memory_space<hbm>>
        %dma_wait3A_99 = tpu.memref_squeeze %dma_wait3A_98 : memref<1x8192xi32, #tpu.memory_space<hbm>> -> memref<8192xi32, #tpu.memory_space<hbm>>
        tpu.wait_dma2 semaphore(%run_scoped3A : memref<!tpu.dma_semaphore, #tpu.memory_space<semaphore_mem>>) src(%arg6 : memref<8192xi32, #tpu.memory_space<vmem>>) dst(%dma_wait3A_99 : memref<8192xi32, #tpu.memory_space<hbm>>)
        tpu.yield
      }) : () -> ()
      tpu.vector_store_idx %arg6[%scan3A_85], %broadcast_in_dim3A_1 masked %lt3A_30 : memref<8192xi32, #tpu.memory_space<vmem>>[vector<16xi32>], vector<16xi32>, vector<16xi1>
    }
    %scan3A_59 = arith.constant 2 : i32
    return
  }
}

</mosaic_0001>

<sc_bundles>
// kernel: kernel.3.cloned.1.call-start
scs
__scs_entry_jumppad:
0x0: {  	(pc) =	sbr.rel $0x88, $3  }
0x1: {  	(tag) =	ssettag $0x0;
	lr =	simm.s32 $0x1  }
0x2: {  	[smem:$0x3F9F] =	sst lr;
	_ =	strace $0xD0000000  }
0x3: {  	_ = 	snop  }
0x4: {  	_ = 	snop  }
0x5: {  	_ = 	snop  }
0x6: {  	_ = 	snop  }
0x7: {  	_ = 	snop  }
__scs_overlays_trampoline_lowered:
0x8: {  	[smem:$0x3FAE] =	sst s0  }
0x9: {  	[smem:$0x3FAF] =	sst s1  }
0xa: {  	[smem:$0x3FB0] =	sst s2  }
0xb: {  	[smem:$0x3FB1] =	sst s3  }
0xc: {  	[smem:$0x3FB2] =	sst s4  }
0xd: {  	[smem:$0x3FB3] =	sst s5  }
0xe: {  	[smem:$0x3FB4] =	sst s6  }
0xf: {  	[smem:$0x3FB5] =	sst s7  }
0x10: {  	[smem:$0x3FB6] =	sst s8  }
0x11: {  	[smem:$0x3FB7] =	sst s9;
	s0 =	simm.s32 @!p0 $0x0  }
0x12: {  	s1 =	sld [smem:$0x3F9D];
	s0 =	simm.s32 @p0 $0x1  }
0x13: {  	[smem:$0x3FB8] =	sst s0;
	s0 =	simm.s32 @!p1 $0x0  }
0x14: {  	s2 =	sld [smem:$0x3F9C];
	s0 =	simm.s32 @p1 $0x1  }
0x15: {  	[smem:$0x3FB9] =	sst s0;
	s0 =	simm.s32 @!p2 $0x0  }
0x16: {  	s3 =	sld [smem:$0x3FDB];
	s0 =	simm.s32 @p2 $0x1  }
0x17: {  	s4 =	simm.s32 $0x1BF5;
	[smem:$0x3FBB] =	sst s0  }
0x18: {  	s0 =	sld [smem:$0x3F9E];
	_ =	swait.ge [sflag:s4], $0x0  }
0x19: {  	s7 =	sld [smem:$0x3F9F]  }
0x1a: {  	s8 =	sadd.s32 $0xFFFFE003, lr  }
0x1b: {  	s9 =	sadd.s32 $0xFFFFFEF7, lr;
	s5 =	simm.s32 $0xFFFFFFFF;
	p2 =	slt.u32 s8, $0xFFFFF086  }
0x1c: {  	p1 =	slt.u32 s9, $0xF7A;
	s5 =	simm.s32 @!p2 $0x0  }
0x1d: {  	s5 =	simm.s32 @p1 $0x1;
	p0 =	seq.s32 s7, s2  }
0x1e: {  	s7 =	smul.u32 @!p0 $0xF7A, s2;
	p2 =	seq.s32 @!p0 s5, $0x0  }
0x1f: {  	s9 =	smul.u32 $0xF7A, s1;
	s8 =	simm.s32 @!p0 $0x1BF5;
	p2 =	por !p2, p0  }
0x20: {  	[sflag:s8] =	ssyncset.s32 @!p0 $0xFFFFF086;
	s6 =	sadd.s32 @!p0 s3, s7;
	s7 =	simm.s32 @!p0 $0x108  }
0x21: {  	s3 =	sadd.s32 s3, s9;
	s6 =	sadd.s32 @!p0 $0x88, s6;
	s7 =	simm.s32 @p2 $0x1082  }
0x22: {  	[simem:s7], [sflag:s8] =	dma.local @!p0 [hbm:s6], $0xF7A  }
0x23: {  	s9 =	sor.u32 $0xD0000000, s2;
	s6 =	simm.s32 $0x108;
	_ =	swait.ge @!p0 [sflag:s8], $0x0  }
0x24: {  	s3 =	sadd.s32 $0x88, s3;
	s6 =	simm.s32 @!p1 $0x1082;
	[sflag:s4] =	ssyncset.s32 $0xFFFFF086  }
0x25: {  	[simem:s6], [sflag:s4] =	dma.local [hbm:s3], $0xF7A  }
0x26: {  	[smem:$0x3F9F] =	sst s1;
	(tag) =	ssettag s2;
	_ =	strace s9  }
0x27: {  	s1 =	sld [smem:$0x3FAF]  }
0x28: {  	s2 =	sld [smem:$0x3FB0]  }
0x29: {  	s4 =	sld [smem:$0x3FB2]  }
0x2a: {  	p0 =	seq.s32 s5, $0x0;
	s5 =	sld [smem:$0x3FB3]  }
0x2b: {  	s6 =	sld [smem:$0x3FB4]  }
0x2c: {  	s7 =	sld [smem:$0x3FB5]  }
0x2d: {  	s3 =	simm.s32 $0x108;
	s8 =	sld [smem:$0x3FB6]  }
0x2e: {  	s3 =	simm.s32 @!p0 $0x1082;
	s9 =	sld [smem:$0x3FB7]  }
0x2f: {  	lr =	sadd.s32 s0, s3;
	s0 =	sld [smem:$0x3FAE]  }
0x30: {  	s3 =	sld [smem:$0x3FB1]  }
0x31: {  	[smem:$0x3FBA] =	sst s10  }
0x32: {  	s10 =	sld [smem:$0x3FB8];
	_ =	sdelay $0x3  }
0x33: {  	p0 =	seq.s32 s10, $0x1;
	s10 =	sld [smem:$0x3FBA];
	_ =	sdelay $0x3  }
0x34: {  	[smem:$0x3FBA] =	sst s10  }
0x35: {  	s10 =	sld [smem:$0x3FB9];
	_ =	sdelay $0x3  }
0x36: {  	p1 =	seq.s32 s10, $0x1;
	s10 =	sld [smem:$0x3FBA];
	_ =	sdelay $0x3  }
0x37: {  	[smem:$0x3FBA] =	sst s10  }
0x38: {  	s10 =	sld [smem:$0x3FBB]  }
0x39: {  	_ = 	snop;
	(pc) =	sbr.ind lr, $3  }
0x3a: {  	_ = 	snop  }
0x3b: {  	_ = 	snop  }
0x3c: {  	p2 =	seq.s32 s10, $0x1;
	s10 =	sld [smem:$0x3FBA]  }
0x3d: {  	_ =	shalt  }
0x3e: {  	_ =	shalt  }
0x3f: {  	_ =	shalt  }
0x40: {  	_ =	shalt  }
0x41: {  	_ =	shalt  }
0x42: {  	_ =	shalt  }
0x43: {  	_ =	shalt  }
0x44: {  	_ =	shalt  }
0x45: {  	_ =	shalt  }
0x46: {  	_ =	shalt  }
0x47: {  	_ =	shalt  }
0x48: {  	_ =	shalt  }
0x49: {  	_ =	shalt  }
0x4a: {  	_ =	shalt  }
0x4b: {  	_ =	shalt  }
0x4c: {  	_ =	shalt  }
0x4d: {  	_ =	shalt  }
0x4e: {  	_ =	shalt  }
0x4f: {  	_ =	shalt  }
0x50: {  	_ =	shalt  }
0x51: {  	_ =	shalt  }
0x52: {  	_ =	shalt  }
0x53: {  	_ =	shalt  }
0x54: {  	_ =	shalt  }
0x55: {  	_ =	shalt  }
0x56: {  	_ =	shalt  }
0x57: {  	_ =	shalt  }
0x58: {  	_ =	shalt  }
0x59: {  	_ =	shalt  }
0x5a: {  	_ =	shalt  }
0x5b: {  	_ =	shalt  }
0x5c: {  	_ =	shalt  }
0x5d: {  	_ =	shalt  }
0x5e: {  	_ =	shalt  }
0x5f: {  	_ =	shalt  }
0x60: {  	_ =	shalt  }
0x61: {  	_ =	shalt  }
0x62: {  	_ =	shalt  }
0x63: {  	_ =	shalt  }
0x64: {  	_ =	shalt  }
0x65: {  	_ =	shalt  }
0x66: {  	_ =	shalt  }
0x67: {  	_ =	shalt  }
0x68: {  	_ =	shalt  }
0x69: {  	_ =	shalt  }
0x6a: {  	_ =	shalt  }
0x6b: {  	_ =	shalt  }
0x6c: {  	_ =	shalt  }
0x6d: {  	_ =	shalt  }
0x6e: {  	_ =	shalt  }
0x6f: {  	_ =	shalt  }
0x70: {  	_ =	shalt  }
0x71: {  	_ =	shalt  }
0x72: {  	_ =	shalt  }
0x73: {  	_ =	shalt  }
0x74: {  	_ =	shalt  }
0x75: {  	_ =	shalt  }
0x76: {  	_ =	shalt  }
0x77: {  	_ =	shalt  }
0x78: {  	_ =	shalt  }
0x79: {  	_ =	shalt  }
0x7a: {  	_ =	shalt  }
0x7b: {  	_ =	shalt  }
0x7c: {  	_ =	shalt  }
0x7d: {  	_ =	shalt  }
0x7e: {  	_ =	shalt  }
0x7f: {  	_ =	shalt  }
0x80: {  	_ =	shalt  }
0x81: {  	_ =	shalt  }
0x82: {  	_ =	shalt  }
0x83: {  	_ =	shalt  }
0x84: {  	_ =	shalt  }
0x85: {  	_ =	shalt  }
0x86: {  	_ =	shalt  }
0x87: {  	_ =	shalt  }
.Lfunc_end0:
.L_simem_size_0:
called_computation_lowered:
.L_overlay_start_0:
0x88: {  	s2 =	sld [smem:$0x3FD9]  }
0x89: {  	s3 =	sld [smem:$0x3FFE];
	_ =	sdelay $0x1  }
0x8a: {  	s1 =	srdreg.scid  }
0x8b: {  	s0 =	sand.u32 $0x1, s1  }
0x8c: {  	s15 =	sshll.u32 s0, $0xA;
	s2 =	sadd.s32 s3, s2  }
0x8d: {  	s2 =	sadd.s32 s2, s15  }
0x8e: {  	[smem:$0x3FC6] =	sst s2  }
0x8f: {  	_ = 	snop  }
0x90: {  	s2 =	sld [smem:$0x3FD0];
	_ =	sdelay $0x2  }
0x91: {  	s4 =	simm.s32 $0xA;
	s5 =	simm.s32 $0x10;
	s16 =	sld [smem:$0x3FC8]  }
0x92: {  	[smem:s5], [sflag:s4] =	dma.local [hbm:s2], $0x1  }
0x93: {  	_ =	swait.eq [sflag:s4], $0x1  }
0x94: {  	[sflag:s4] =	ssyncset.done $0x0  }
0x95: {  	s17 =	sld [smem:$0x10];
	[sflag:s4] =	ssyncadd.s32 $0xFFFFFFFF  }
0x96: {  	s18 =	sld [smem:$0x11];
	(tm) =	ssettm $0x1  }
0x97: {  	s19 =	sld [smem:$0x3FFB];
	_ =	sdelay $0x3  }
0x98: {  	_ =	strace s19  }
0x99: {  	s5 =	sld [smem:$0x3FFC];
	_ =	sdelay $0x3  }
0x9a: {  	_ =	strace s5  }
0x9b: {  	s5 =	sld [smem:$0x3FFD];
	_ =	sdelay $0x3  }
0x9c: {  	_ =	strace s5  }
0x9d: {  	_ =	strace $0x8FFFFFFF  }
0x9e: {  	s20 =	sld [smem:$0x3FDB];
	_ =	sdelay $0x1  }
0x9f: {  	s6 =	simm.s32 $_scs_section_size  }
0xa0: {  	s7 =	simm.s32 $_size__tile_overlayer_lowered;
	s8 =	simm.s32 $_tile_overlayer_lowered  }
0xa1: {  	s23 =	simm.s32 $0x1BFF;
	s22 =	sshll.u32 s8, $0x1;
	s5 =	sadd.s32 s6, s20  }
0xa2: {  	s9 =	simm.s32 $0x0;
	s21 =	sshll.u32 s7, $0x1;
	s7 =	sadd.s32 s22, s5  }
0xa3: {  	[timem:s9], [sflag:s23] =	dma.local [hbm:s7], s21  }
0xa4: {  	_ =	swait.ge [sflag:s23], s21  }
0xa5: {  	s6 =	ssub.s32 $0x0, s21;
	[sflag:s23] =	ssyncset.done $0x0  }
0xa6: {  	[sflag:s23] =	ssyncadd.s32 s6;
	_ =	sdelay $0x1  }
0xa7: {  	s24 =	simm.s32 $0x1B8B  }
0xa8: {  	_ =	swait.ge [sflag:s24], $0x1  }
0xa9: {  	[sflag:s24] =	ssyncset.done $0x0  }
0xaa: {  	s25 =	simm.s32 $0x1B8E;
	[sflag:s24] =	ssyncadd.s32 $0xFFFFFFFF  }
0xab: {  	s26 =	simm.s32 $execute0_lowered;
	[smem:$0x3FD2] =	sst s25  }
0xac: {  	s6 =	sshll.u32 s26, $0x1;
	_ =	strace $0x80000046;
	[dreg:$0x1] =	wrdreg $0xFFFFFFFF  }
0xad: {  	s28 =	simm.s32 $_size_execute0_lowered;
	s5 =	sadd.s32 s5, s6;
	[dreg:$0x0] =	wrdreg $0x0  }
0xae: {  	s6 =	sshll.u32 s28, $0x1;
	[dreg:$0x2] =	wrdreg s5  }
0xaf: {  	[dreg:$0x3] =	wrdreg s6  }
0xb0: {  	[dreg:$0x4] =	wrdreg $0xC0  }
0xb1: {  	_ =	task [dreg:s9], $0x5FFFF  }
0xb2: {  	[dreg:$0x1] =	wrdreg $0xFFFFFFFF  }
0xb3: {  	[dreg:$0x0] =	wrdreg $0x60  }
0xb4: {  	[dreg:$0x2] =	wrdreg s16  }
0xb5: {  	[dreg:$0x3] =	wrdreg s17  }
0xb6: {  	[dreg:$0x4] =	wrdreg s18  }
0xb7: {  	[dreg:$0x5] =	wrdreg $0x9  }
0xb8: {  	_ =	task.clear_ibuf [dreg:s9], $0x6FFFF;
	_ =	strace $0x90000046  }
0xb9: {  	s29 =	simm.s32 $0x9;
	_ =	strace $0x80000048  }
0xba: {  	_ =	swait.ge [sflag:s29], $0x1  }
0xbb: {  	[sflag:s29] =	ssyncadd.s32 $0xFFFFFFFF  }
0xbc: {  	_ =	strace $0x90000048  }
0xbd: {  	_ =	sfence  }
0xbe: {  	s30 =	sld [smem:$0x0];
	_ =	sdelay $0x2  }
0xbf: {  	s31 =	sshll.u32 s1, $0xD;
	s1 =	sshrl.u32 s1, $0x2  }
0xc0: {  	s3 =	sand.u32 $0x4000, s31;
	s1 =	sadd.s32 s1, s30  }
0xc1: {  	s0 =	sor.u32 s3, s0;
	s1 =	sshll.u32 s1, $0x11  }
0xc2: {  	s0 =	sor.u32 s1, s0  }
0xc3: {  	s0 =	sadd.s32 $0x8F2B, s0  }
0xc4: {  	[sflag:s0] =	ssyncadd.remote.s32 $0x1  }
0xc5: {  	_ =	sfence.sel $0xFFFF  }
0xc6: {  	[dreg:$0x0] =	wrdreg $0xFFFFFFFF;
	(pc) =	sbr.abs _section_cstart, $3  }
0xc7: {  	[dreg:$0x1] =	wrdreg $0xFFFFFFFF  }
0xc8: {  	_ =	task.clear_ibuf [dreg:s9], $0x2FFFF;
	_ =	strace $0x9FFFFFFF  }
0xc9: {  	(tm) =	ssettm $0x7FFFFFFF  }
tec
execute0_lowered:
.L_overlay_start_1:
0x0: {  	(tag) =	ssettag $0x1  }
0x1: {  	s3 =	rddreg [dreg:$0x0]  }
0x2: {  	s5 =	rddreg [dreg:$0x1]  }
0x3: {  	s4 =	rddreg [dreg:$0x2]  }
0x4: {  	s0 =	rddreg [dreg:$0x3];
	s6 =	srdreg.scid  }
0x5: {  	s1 =	stileid.u32;
	s2 =	simm.s32 $0x0;
	s11 =	simm.s32 $0x6000  }
0x6: {  	s12 =	simm.s32 $0x2;
	s13 =	simm.s32 $0x1;
	s14 =	simm.s32 $0x4000  }
0x7: {  	s15 =	simm.s32 $0x0;
	s6 =	sand.u32 $0x1, s6;
	s7 =	sshll.u32 s1, $0x1  }
0x8: {  	[smem:$0x7FF] =	sst s2;
	s8 =	sshll.u32 s1, $0xC;
	s7 =	sor.u32 s6, s7  }
0x9: {  	s6 =	ssub.s32 $0x2, s6;
	s8 =	sand.u32 $0xE000, s8;
	_ =	strace $0x80000047  }
0xa: {  	s9 =	sshll.u32 s7, $0x5;
	s10 =	sshrl.u32 s6, $0x1;
	s30 =	sshll.u32 s7, $0x2  }
0xb: {  	s31 =	sadd.s32 s4, s8;
	s9 =	sand.u32 $0x60, s9;
	s10 =	ssub.s32 s6, s10  }
0xc: {  	s5 =	sadd.s32 s5, s30;
	s29 =	sor.u32 s8, s9;
	s6 =	sadd.s32 s9, s31  }
0xd: {  	v0 =	vlaneseq.u32;
	v1 =	vimm.s32 $0x0;
	v5 =	vimm.s32 $0x1;
	s7 =	smax.u32 s10, $0x1;
	s8 =	simm.s32 $0x80;
	s3 =	sadd.s32 s3, s29  }
0xe: {  	v2 =	vmul.u32 $0x200, v0;
	v3 =	vor.u32 $0x80000000, v0;
	v4 =	vmul.u32 $0x20, v0;
	s9 =	simm.s32 $0x400;
	s10 =	simm.s32 $0x2000;
	s4 =	sadd.s32 $0x10, s3  }
.LBB2_1:
0xf: {  	[tilespmem:s2], [sflag:$0x1] =	stream.strided.gather [hbm4b:s3+s8], $0x2000, s9, s8, $0x38;
	[tilespmem:$0x6080] =	vst v63  }
0x10: {  	_ = 	snop  }
0x11: {  	[tilespmem:s10], [sflag:$0x1] =	stream.strided.gather [hbm4b:s4+s8], $0x2000, s9, s8, $0x38;
	[tilespmem:$0x6080] =	vst v63  }
0x12: {  	_ = 	snop  }
0x13: {  	[tilespmem:s11], [sflag:$0x2] =	stream.linear.gather [hbm4b:s5+s2], $0x20, $0x38;
	[tilespmem:$0x6080] =	vst v63  }
0x14: {  	_ =	swait.ge [sflag:s12], $0x20  }
0x15: {  	[sflag:s12] =	ssyncset.done $0x0  }
0x16: {  	s16 =	simm.s32 $0x4040;
	[sflag:s12] =	ssyncadd.s32 $0xFFFFFFE0  }
0x17: {  	[tilespmem:s16+$0xFFFFFFC0] =	vst v1  }
0x18: {  	[tilespmem:s16+$0x30] =	vst v1  }
0x19: {  	[tilespmem:s16+$0x20] =	vst v1  }
0x1a: {  	[tilespmem:s16+$0x10] =	vst v1  }
0x1b: {  	[tilespmem:s16+$0x0] =	vst v1  }
0x1c: {  	[tilespmem:s16+$0xFFFFFFF0] =	vst v1  }
0x1d: {  	s17 =	simm.s32 $0x0;
	[tilespmem:s16+$0xFFFFFFE0] =	vst v1  }
.LBB2_2:
0x1e: {  	s17 =	sadd.s32 $0x8, s17;
	[tilespmem:s16+$0xFFFFFFD0] =	vst v1;
	s16 =	sadd.s32 $0x80, s16  }
0x1f: {  	[tilespmem:s16+$0xFFFFFFC0] =	vst v1;
	p0 =	slt.u32 s17, $0x1F8  }
0x20: {  	[tilespmem:s16+$0x30] =	vst v1  }
.Ltmp0:
0x21: {  	[tilespmem:s16+$0x20] =	vst v1;
	(pc) =	sbr.rel @p0 .LBB2_2-.Ltmp0, $4  }
0x22: {  	[tilespmem:s16+$0x10] =	vst v1  }
0x23: {  	[tilespmem:s16+$0x0] =	vst v1  }
0x24: {  	[tilespmem:s16+$0xFFFFFFF0] =	vst v1  }
0x25: {  	[tilespmem:s16+$0xFFFFFFE0] =	vst v1  }
0x26: {  	[tilespmem:s16+$0xFFFFFFD0] =	vst v1  }
0x27: {  	v6 =	vld [tilespmem:$0x6000]  }
0x28: {  	v7 =	vld [tilespmem:$0x6010];
	_ =	swait.ge [sflag:s13], $0x2000  }
0x29: {  	[sflag:s13] =	ssyncset.done $0x0  }
0x2a: {  	[sflag:s13] =	ssyncadd.s32 $0xFFFFE000  }
0x2b: {  	_ =	swait.ge [sflag:s13], $0x2000  }
0x2c: {  	s16 =	simm.s32 $0x0;
	[sflag:s13] =	ssyncset.done $0x0  }
0x2d: {  	p1 =	por $0x1, $0x1;
	s17 =	simm.s32 $0x0;
	[sflag:s13] =	ssyncadd.s32 $0xFFFFE000  }
.LBB2_4:
0x2e: {  	s18 =	sshll.u32 s17, $0xD;
	v9 =	vadd.s32 s16, v0  }
0x2f: {  	s19 =	simm.s32 $0x1;
	v8 =	vor.u32 s18, v2;
	v9 =	vand.u32 $0x1FF, v9  }
0x30: {  	s20 =	simm.s32 $0x2;
	v10 =	vadd.s32 s19, v0;
	v9 =	vor.u32 v8, v9  }
0x31: {  	s23 =	simm.s32 $0x3;
	v11 =	vadd.s32 s20, v0;
	v10 =	vand.u32 $0x1FF, v10  }
0x32: {  	s24 =	simm.s32 $0x4;
	v12 =	vadd.s32 s23, v0;
	v11 =	vand.u32 $0x1FF, v11;
	v10 =	vor.u32 v8, v10  }
0x33: {  	s21 =	simm.s32 $0x5;
	v13 =	vadd.s32 s24, v0;
	v17 =	vor.u32 v8, v11;
	v11 =	vand.u32 $0x1FF, v12  }
0x34: {  	s25 =	simm.s32 $0x6;
	v15 =	vadd.s32 s21, v0;
	v18 =	vor.u32 v8, v11;
	v11 =	vand.u32 $0x1FF, v13  }
0x35: {  	s26 =	simm.s32 $0x7;
	v12 =	vadd.s32 s25, v0;
	v19 =	vor.u32 v8, v11;
	v11 =	vld.idx.msk [tilespmem:v9+s2+$0x0], $0xffff;
	v9 =	vand.u32 $0x1FF, v15  }
0x36: {  	v13 =	vadd.s32 s26, v0;
	v12 =	vand.u32 $0x1FF, v12;
	v16 =	vor.u32 v8, v9  }
0x37: {  	s28 =	simm.s32 $0x8;
	v20 =	vand.u32 $0x1FF, v13;
	v15 =	vor.u32 v8, v12;
	v10 =	vld.idx.msk [tilespmem:v10+s2+$0x0], $0xffff  }
0x38: {  	v14 =	vimm.s32 $0x0;
	s29 =	simm.s32 $0xE;
	s31 =	simm.s32 $0xB;
	s22 =	simm.s32 $0xC;
	v13 =	vld.idx.msk [tilespmem:v17+s2+$0x0], $0xffff;
	v17 =	vor.u32 v8, v20  }
0x39: {  	s30 =	simm.s32 $0xF;
	p0 =	por p1, p1;
	v23 =	vadd.s32 s28, v0;
	s23 =	simm.s32 $0xD;
	v22 =	vadd.s32 s31, v0;
	v21 =	vadd.s32 s22, v0;
	v18 =	vld.idx.msk [tilespmem:v18+s2+$0x0], $0xffff  }
0x3a: {  	s20 =	simm.s32 $0x9;
	s21 =	simm.s32 $0xA;
	s19 =	simm.s32 $0x10;
	v12 =	vadd.s32 s29, v0;
	v9 =	vadd.s32 s30, v0;
	v20 =	vadd.s32 s23, v0;
	v19 =	vld.idx.msk [tilespmem:v19+s2+$0x0], $0xffff  }
.LBB2_5:
0x3b: {  	p1 =	slt.u32 s19, $0x1F8;
	v23 =	vand.u32 $0x1FF, v23;
	v24 =	vadd.s32 s20, v0;
	v25 =	vadd.s32 s21, v0;
	v26 =	vld.idx.msk [tilespmem:v16+s2+$0x0], $0xffff  }
0x3c: {  	v11 =	vadd.s32 v14, v11;
	v16 =	vor.u32 v8, v23;
	v23 =	vand.u32 $0x1FF, v24;
	v24 =	vld.idx.msk [tilespmem:v15+s2+$0x0], $0xffff  }
0x3d: {  	v15 =	vand.u32 $0x1FF, v25;
	v10 =	vadd.s32 v10, v11;
	v14 =	vor.u32 v8, v23;
	v23 =	vld.idx.msk [tilespmem:v17+s2+$0x0], $0xffff  }
0x3e: {  	v11 =	vand.u32 $0x1FF, v22;
	v17 =	vor.u32 v8, v15;
	v10 =	vadd.s32 v13, v10  }
0x3f: {  	v22 =	vor.u32 v8, v11;
	v11 =	vand.u32 $0x1FF, v21;
	v10 =	vadd.s32 v18, v10  }
0x40: {  	v13 =	vand.u32 $0x1FF, v20;
	v25 =	vor.u32 v8, v11;
	v10 =	vadd.s32 v19, v10  }
.Ltmp1:
0x41: {  	v12 =	vand.u32 $0x1FF, v12;
	v11 =	vld.idx.msk [tilespmem:v16+s2+$0x0], $0xffff;
	v16 =	vor.u32 v8, v13;
	v13 =	vadd.s32 v26, v10;
	(pc) =	sbr.rel @p1 .LBB2_5-.Ltmp1, $4  }
0x42: {  	v9 =	vand.u32 $0x1FF, v9;
	v15 =	vor.u32 v8, v12;
	v10 =	vld.idx.msk [tilespmem:v14+s2+$0x0], $0xffff;
	v12 =	vadd.s32 v24, v13  }
0x43: {  	s20 =	sadd.s32 $0x6, s19;
	s21 =	sadd.s32 $0x7, s19;
	v13 =	vld.idx.msk [tilespmem:v17+s2+$0x0], $0xffff;
	v17 =	vor.u32 v8, v9;
	v14 =	vadd.s32 v23, v12  }
0x44: {  	s22 =	sadd.s32 $0x3, s19;
	s23 =	sadd.s32 $0x4, s19;
	s24 =	sadd.s32 $0x5, s19;
	v23 =	vadd.s32 s19, v0;
	v12 =	vadd.s32 s20, v0;
	v9 =	vadd.s32 s21, v0;
	v18 =	vld.idx.msk [tilespmem:v22+s2+$0x0], $0xffff  }
0x45: {  	v21 =	vadd.s32 s23, v0;
	v20 =	vadd.s32 s24, v0;
	s20 =	sadd.s32 $0x1, s19;
	s21 =	sadd.s32 $0x2, s19;
	s19 =	sadd.s32 $0x8, s19;
	v22 =	vadd.s32 s22, v0;
	v19 =	vld.idx.msk [tilespmem:v25+s2+$0x0], $0xffff  }
0x46: {  	_ = 	snop  }
0x47: {  	v23 =	vand.u32 $0x1FF, v23;
	v24 =	vadd.s32 s20, v0  }
0x48: {  	v25 =	vadd.s32 s21, v0;
	v23 =	vor.u32 v8, v23;
	v24 =	vand.u32 $0x1FF, v24  }
0x49: {  	v25 =	vand.u32 $0x1FF, v25;
	v24 =	vor.u32 v8, v24  }
0x4a: {  	v16 =	vld.idx.msk [tilespmem:v16+s2+$0x0], $0xffff;
	v11 =	vadd.s32 v14, v11;
	v22 =	vand.u32 $0x1FF, v22;
	v14 =	vor.u32 v8, v25  }
0x4b: {  	v15 =	vld.idx.msk [tilespmem:v15+s2+$0x0], $0xffff;
	v21 =	vand.u32 $0x1FF, v21;
	v10 =	vadd.s32 v10, v11;
	v11 =	vor.u32 v8, v22  }
0x4c: {  	v17 =	vld.idx.msk [tilespmem:v17+s2+$0x0], $0xffff;
	v20 =	vand.u32 $0x1FF, v20;
	v10 =	vadd.s32 v13, v10;
	v13 =	vor.u32 v8, v21  }
0x4d: {  	v12 =	vand.u32 $0x1FF, v12;
	v20 =	vor.u32 v8, v20;
	v10 =	vadd.s32 v18, v10;
	v62 =	vld.idx.msk [tilespmem:v23+s2+$0x0], $0xffff  }
0x4e: {  	v9 =	vand.u32 $0x1FF, v9;
	v12 =	vor.u32 v8, v12;
	v10 =	vadd.s32 v19, v10;
	v63 =	vld.idx.msk [tilespmem:v24+s2+$0x0], $0xffff  }
0x4f: {  	v8 =	vor.u32 v8, v9;
	v10 =	vadd.s32 v16, v10;
	v14 =	vld.idx.msk [tilespmem:v14+s2+$0x0], $0xffff  }
0x50: {  	v9 =	vadd.s32 v15, v10;
	v10 =	vld.idx.msk [tilespmem:v11+s2+$0x0], $0xffff  }
0x51: {  	v9 =	vadd.s32 v17, v9;
	v11 =	vld.idx.msk [tilespmem:v13+s2+$0x0], $0xffff  }
0x52: {  	v13 =	vld.idx.msk [tilespmem:v20+s2+$0x0], $0xffff;
	v9 =	vadd.s32 v9, v62  }
0x53: {  	v12 =	vld.idx.msk [tilespmem:v12+s2+$0x0], $0xffff;
	v9 =	vadd.s32 v63, v9  }
0x54: {  	v8 =	vld.idx.msk [tilespmem:v8+s2+$0x0], $0xffff;
	v9 =	vadd.s32 v14, v9  }
0x55: {  	v9 =	vadd.s32 v10, v9  }
0x56: {  	v9 =	vadd.s32 v11, v9  }
0x57: {  	v9 =	vadd.s32 v13, v9  }
0x58: {  	v9 =	vadd.s32 v12, v9  }
0x59: {  	v8 =	vadd.s32 v8, v9  }
0x5a: {  	(xrf0) =	vadd.scan.msk.s32 $0xffff, v8;
	_ =	sdelay $0x5  }
0x5b: {  	v9, _, _ =	vpop (xrf0)  }
0x5c: {  	(v2sf) =	vpush v9, $0xF  }
0x5d: {  	v10 =	vbroadcast v9, $0xF;
	_ =	sdelay $0x1  }
0x5e: {  	v12 =	vcvt.s32.f32 v10;
	_ =	sdelay $0x1  }
0x5f: {  	v11 =	vmax.f32 v12, $1.000000000e+00  }
0x60: {  	(erf) = vrcp.f32 v11;
	_ =	sdelay $0x8  }
0x61: {  	v13 =	vpop (erf);
	s31 =	spop (v2sf)  }
0x62: {  	s19 =	simm.s32 $0x0;
	s20 =	simm.s32 $0x0;
	v14 =	vpsel p0, v6, v7;
	v11 =	vimm.s32 $0x0;
	v15 =	vmul.f32 v12, v13;
	p1 =	sgt.s32 s31, $0x0  }
.LBB2_7:
0x63: {  	v16 =	vmov s20  }
0x64: {  	vm0 =	veq.s32 v16, v0  }
0x65: {  	v16 =	vnsel vm0, $0x0, v14  }
0x66: {  	(xrf2) =	vadd.scan.msk.f32 $0xffff, v16;
	_ =	sdelay $0x9  }
0x67: {  	v16, _, _ =	vpop (xrf2)  }
0x68: {  	v16 =	vsub.f32 $1.000000000e+00, v16;
	_ =	sdelay $0x1  }
0x69: {  	v16 =	vbroadcast v16, $0xF;
	_ =	sdelay $0x1  }
0x6a: {  	v16 =	vmul.f32 v16, v15;
	_ =	sdelay $0x1  }
0x6b: {  	v17 =	vmul.f32 v12, v16;
	_ =	sdelay $0x1  }
0x6c: {  	v17 =	vtrunc.f32 v17  }
0x6d: {  	v17 =	vcvt.f32.s32 v17;
	_ =	sdelay $0x1  }
0x6e: {  	v17 =	vxor.u32 $0x80000000, v17  }
0x6f: {  	(xrf0) =	vmax.scan.msk.u32 $0xffff, v17;
	_ =	sdelay $0x5  }
0x70: {  	v17, _, _ =	vpop (xrf0)  }
0x71: {  	(v2sf) =	vpush v17, $0xF;
	_ =	sdelay $0xe  }
0x72: {  	s21 =	spop (v2sf)  }
0x73: {  	s21 =	sadd.s32 $0x7FFFFFF8, s21  }
0x74: {  	p2 =	sgt.s32 s21, $0x0  }
0x75: {  	s21 =	simm.s32 @!p2 $0x0  }
0x76: {  	s21 =	sadd.s32 $0x1, s21  }
0x77: {  	v17 =	vadd.s32 s21, v0  }
0x78: {  	v18 =	vcvt.s32.f32 v17;
	_ =	sdelay $0x1  }
0x79: {  	v18 =	vmul.f32 v18, v13;
	_ =	sdelay $0x1  }
0x7a: {  	vm2 =	vle.s32 v17, v10;
	vm1 =	vlt.f32 v18, v16  }
0x7b: {  	vm1 =	vmand vm2, vm1  }
0x7c: {  	v16 =	vsel vm1, $0x1, v1  }
0x7d: {  	(xrf0) =	vadd.scan.msk.s32 $0xffff, v16;
	_ =	sdelay $0x5  }
0x7e: {  	v16, _, _ =	vpop (xrf0)  }
0x7f: {  	(v2sf) =	vpush v16, $0xF;
	_ =	sdelay $0xe  }
0x80: {  	s22 =	spop (v2sf)  }
0x81: {  	s22 =	sadd.s32 s22, s21  }
0x82: {  	vm1 =	vlt.s32 v9, s22  }
0x83: {  	v16 =	vsel vm1, $0x80000010, v3  }
0x84: {  	(xrf0) =	vmin.scan.msk.u32 $0xffff, v16;
	_ =	sdelay $0x5  }
0x85: {  	v16, _, _ =	vpop (xrf0)  }
0x86: {  	(v2sf) =	vpush v16, $0xF;
	_ =	sdelay $0xe  }
0x87: {  	s25 =	spop (v2sf)  }
0x88: {  	s23 =	sxor.u32 $0x80000000, s25  }
0x89: {  	p2 =	slt.s32 s23, $0xF  }
0x8a: {  	s23 =	simm.s32 @!p2 $0xF  }
0x8b: {  	s21 =	sshll.u32 s23, $0x9  }
0x8c: {  	v17 =	vadd.s32 s19, v0;
	s25 =	simm.s32 $0x1;
	s24 =	sadd.s32 s18, s21  }
0x8d: {  	s26 =	simm.s32 $0x2;
	v17 =	vand.u32 $0x1F, v17;
	v18 =	vadd.s32 s25, v0;
	v16 =	vor.u32 s24, v4  }
0x8e: {  	s28 =	simm.s32 $0x3;
	v19 =	vadd.s32 s26, v0;
	v18 =	vand.u32 $0x1F, v18;
	v17 =	vor.u32 v17, v16  }
0x8f: {  	s29 =	simm.s32 $0x4;
	v20 =	vadd.s32 s28, v0;
	v21 =	vor.u32 v18, v16;
	v18 =	vand.u32 $0x1F, v19  }
0x90: {  	s30 =	simm.s32 $0x5;
	v19 =	vadd.s32 s29, v0;
	v24 =	vor.u32 v18, v16;
	v18 =	vand.u32 $0x1F, v20  }
0x91: {  	s31 =	simm.s32 $0x6;
	v25 =	vor.u32 v18, v16;
	v18 =	vand.u32 $0x1F, v19;
	v19 =	vadd.s32 s30, v0  }
0x92: {  	s26 =	simm.s32 $0x7;
	v20 =	vadd.s32 s31, v0;
	v26 =	vor.u32 v18, v16;
	v19 =	vand.u32 $0x1F, v19  }
0x93: {  	v23 =	vadd.s32 s26, v0;
	v22 =	vor.u32 v19, v16;
	v18 =	vld.idx.msk [tilespmem:v17+s2+$0x0], $0xffff;
	v17 =	vand.u32 $0x1F, v20  }
0x94: {  	v19 =	vld.idx.msk [tilespmem:v21+s2+$0x0], $0xffff;
	v20 =	vand.u32 $0x1F, v23;
	v23 =	vor.u32 v17, v16  }
0x95: {  	v30 =	vimm.s32 $0x0;
	s28 =	simm.s32 $0xC;
	s25 =	simm.s32 $0x8;
	s29 =	simm.s32 $0xD;
	v21 =	vld.idx.msk [tilespmem:v24+s2+$0x0], $0xffff;
	v24 =	vor.u32 v20, v16  }
0x96: {  	s26 =	simm.s32 $0xE;
	v28 =	vadd.s32 s28, v0;
	v31 =	vadd.s32 s25, v0;
	s31 =	simm.s32 $0xB;
	v27 =	vadd.s32 s29, v0;
	s30 =	simm.s32 $0xF;
	v25 =	vld.idx.msk [tilespmem:v25+s2+$0x0], $0xffff  }
0x97: {  	s25 =	simm.s32 $0x9;
	s24 =	simm.s32 $0x10;
	v29 =	vadd.s32 s31, v0;
	v20 =	vadd.s32 s26, v0;
	v17 =	vadd.s32 s30, v0;
	s26 =	simm.s32 $0xA;
	v26 =	vld.idx.msk [tilespmem:v26+s2+$0x0], $0xffff  }
.LBB2_8:
0x98: {  	p2 =	slt.u32 s24, $0x18;
	v31 =	vand.u32 $0x1F, v31;
	v32 =	vadd.s32 s25, v0;
	v33 =	vadd.s32 s26, v0;
	v34 =	vld.idx.msk [tilespmem:v22+s2+$0x0], $0xffff  }
0x99: {  	v18 =	vadd.s32 v30, v18;
	v22 =	vor.u32 v31, v16;
	v31 =	vand.u32 $0x1F, v32;
	v32 =	vld.idx.msk [tilespmem:v23+s2+$0x0], $0xffff  }
0x9a: {  	v30 =	vand.u32 $0x1F, v33;
	v18 =	vadd.s32 v19, v18;
	v23 =	vor.u32 v31, v16;
	v31 =	vld.idx.msk [tilespmem:v24+s2+$0x0], $0xffff  }
0x9b: {  	v19 =	vand.u32 $0x1F, v29;
	v24 =	vor.u32 v30, v16;
	v18 =	vadd.s32 v21, v18  }
0x9c: {  	v29 =	vor.u32 v19, v16;
	v19 =	vand.u32 $0x1F, v28;
	v18 =	vadd.s32 v25, v18  }
0x9d: {  	v33 =	vor.u32 v19, v16;
	v19 =	vand.u32 $0x1F, v27;
	v21 =	vadd.s32 v26, v18  }
.Ltmp2:
0x9e: {  	v20 =	vand.u32 $0x1F, v20;
	v21 =	vadd.s32 v34, v21;
	v18 =	vld.idx.msk [tilespmem:v22+s2+$0x0], $0xffff;
	v22 =	vor.u32 v19, v16;
	(pc) =	sbr.rel @p2 .LBB2_8-.Ltmp2, $4  }
0x9f: {  	v17 =	vand.u32 $0x1F, v17;
	v19 =	vld.idx.msk [tilespmem:v23+s2+$0x0], $0xffff;
	v23 =	vor.u32 v20, v16;
	v20 =	vadd.s32 v32, v21  }
0xa0: {  	s25 =	sadd.s32 $0x6, s24;
	s26 =	sadd.s32 $0x7, s24;
	v21 =	vld.idx.msk [tilespmem:v24+s2+$0x0], $0xffff;
	v24 =	vor.u32 v17, v16;
	v30 =	vadd.s32 v31, v20  }
0xa1: {  	s28 =	sadd.s32 $0x3, s24;
	s29 =	sadd.s32 $0x4, s24;
	s30 =	sadd.s32 $0x5, s24;
	v31 =	vadd.s32 s24, v0;
	v20 =	vadd.s32 s25, v0;
	v17 =	vadd.s32 s26, v0;
	v25 =	vld.idx.msk [tilespmem:v29+s2+$0x0], $0xffff  }
0xa2: {  	v28 =	vadd.s32 s29, v0;
	v27 =	vadd.s32 s30, v0;
	s25 =	sadd.s32 $0x1, s24;
	s26 =	sadd.s32 $0x2, s24;
	s24 =	sadd.s32 $0x8, s24;
	v29 =	vadd.s32 s28, v0;
	v26 =	vld.idx.msk [tilespmem:v33+s2+$0x0], $0xffff  }
0xa3: {  	v31 =	vand.u32 $0x1F, v31;
	v32 =	vmov s23  }
0xa4: {  	v33 =	vadd.s32 s25, v0;
	v34 =	vadd.s32 s26, v0;
	vm1 =	vgt.s32 v32, v0  }
0xa5: {  	v31 =	vor.u32 v31, v16;
	v50 =	vand.u32 $0x1F, v33;
	v51 =	vnsel vm1, $0x0, v8  }
0xa6: {  	v18 =	vadd.s32 v30, v18;
	v52 =	vand.u32 $0x1F, v34;
	v32 =	vor.u32 v50, v16;
	(xrf0) =	vadd.scan.msk.s32 $0xffff, v51  }
0xa7: {  	v22 =	vld.idx.msk [tilespmem:v22+s2+$0x0], $0xffff;
	v29 =	vand.u32 $0x1F, v29;
	v28 =	vand.u32 $0x1F, v28;
	v53 =	vor.u32 v52, v16  }
0xa8: {  	v23 =	vld.idx.msk [tilespmem:v23+s2+$0x0], $0xffff;
	v27 =	vand.u32 $0x1F, v27;
	v18 =	vadd.s32 v19, v18;
	v54 =	vor.u32 v29, v16  }
0xa9: {  	v24 =	vld.idx.msk [tilespmem:v24+s2+$0x0], $0xffff;
	v17 =	vand.u32 $0x1F, v17;
	v55 =	vor.u32 v28, v16;
	v18 =	vadd.s32 v21, v18  }
0xaa: {  	v20 =	vand.u32 $0x1F, v20;
	v27 =	vor.u32 v27, v16;
	v18 =	vadd.s32 v25, v18;
	v56 =	vld.idx.msk [tilespmem:v31+s2+$0x0], $0xffff  }
0xab: {  	v20 =	vor.u32 v20, v16;
	v18 =	vadd.s32 v26, v18;
	v57 =	vld.idx.msk [tilespmem:v32+s2+$0x0], $0xffff  }
0xac: {  	v16 =	vor.u32 v17, v16;
	v18 =	vadd.s32 v22, v18;
	v58 =	vld.idx.msk [tilespmem:v53+s2+$0x0], $0xffff;
	v17, _, _ =	vpop (xrf0)  }
0xad: {  	v18 =	vadd.s32 v23, v18;
	v19 =	vld.idx.msk [tilespmem:v54+s2+$0x0], $0xffff;
	(v2sf) =	vpush v17, $0xF  }
0xae: {  	v59 =	vld.idx.msk [tilespmem:v55+s2+$0x0], $0xffff;
	v17 =	vadd.s32 v24, v18  }
0xaf: {  	v60 =	vld.idx.msk [tilespmem:v27+s2+$0x0], $0xffff;
	v17 =	vadd.s32 v17, v56  }
0xb0: {  	v20 =	vld.idx.msk [tilespmem:v20+s2+$0x0], $0xffff;
	v17 =	vadd.s32 v57, v17  }
0xb1: {  	v16 =	vld.idx.msk [tilespmem:v16+s2+$0x0], $0xffff;
	v17 =	vadd.s32 v58, v17  }
0xb2: {  	v17 =	vadd.s32 v19, v17  }
0xb3: {  	v17 =	vadd.s32 v59, v17  }
0xb4: {  	v17 =	vadd.s32 v60, v17  }
0xb5: {  	v17 =	vadd.s32 v20, v17  }
0xb6: {  	v16 =	vadd.s32 v16, v17  }
0xb7: {  	(xrf0) =	vadd.scan.msk.s32 $0xffff, v16;
	_ =	sdelay $0x4  }
0xb8: {  	s31 =	spop (v2sf)  }
0xb9: {  	v17, _, _ =	vpop (xrf0);
	s22 =	ssub.s32 s22, s31  }
0xba: {  	vm12 =	vlt.s32 v17, s22  }
0xbb: {  	v17 =	vsel vm12, $0x80000010, v3  }
0xbc: {  	(xrf0) =	vmin.scan.msk.u32 $0xffff, v17;
	_ =	sdelay $0x5  }
0xbd: {  	v17, _, _ =	vpop (xrf0)  }
0xbe: {  	(v2sf) =	vpush v17, $0xF;
	_ =	sdelay $0xe  }
0xbf: {  	s24 =	spop (v2sf)  }
0xc0: {  	s23 =	sxor.u32 $0x80000000, s24  }
0xc1: {  	p2 =	slt.s32 s23, $0xF  }
0xc2: {  	s23 =	simm.s32 @!p2 $0xF  }
0xc3: {  	s24 =	sshll.u32 s23, $0x5  }
0xc4: {  	s21 =	sadd.s32 s21, s24  }
0xc5: {  	s24 =	sadd.s32 s18, s21  }
0xc6: {  	v17 =	vor.u32 s24, v0;
	_ =	sdelay $0x4  }
0xc7: {  	v17 =	vld.idx.msk [tilespmem:v17+s2+$0x0], $0xffff  }
0xc8: {  	v61 =	vmov s23;
	s25 =	sor.u32 $0x10, s24  }
0xc9: {  	vm13 =	vgt.s32 v61, v0;
	v62 =	vor.u32 s25, v0  }
0xca: {  	v16 =	vnsel vm13, $0x0, v16  }
0xcb: {  	(xrf0) =	vadd.scan.msk.s32 $0xffff, v16  }
0xcc: {  	(xrf0) =	vadd.scan.msk.s32 $0xffff, v17;
	_ =	sdelay $0x1  }
0xcd: {  	v16 =	vld.idx.msk [tilespmem:v62+s2+$0x0], $0xffff;
	_ =	sdelay $0x2  }
0xce: {  	v17, _, _ =	vpop (xrf0)  }
0xcf: {  	v63, _, _ =	vpop (xrf0)  }
0xd0: {  	(xrf0) =	vadd.scan.msk.s32 $0xffff, v16;
	v16 =	vxor.u32 $0x80000000, v63  }
0xd1: {  	(xrf0) =	vmax.scan.msk.u32 $0xffff, v16;
	_ =	sdelay $0x4  }
0xd2: {  	v16, _, _ =	vpop (xrf0)  }
0xd3: {  	(v2sf) =	vpush v17, $0xF;
	v17, _, _ =	vpop (xrf0)  }
0xd4: {  	(v2sf) =	vpush v17, $0xF;
	_ =	sdelay $0xd  }
0xd5: {  	s26 =	spop (v2sf)  }
0xd6: {  	s28 =	spop (v2sf)  }
0xd7: {  	s22 =	ssub.s32 s22, s26;
	s29 =	sxor.u32 $0x80000000, s28  }
0xd8: {  	vm14 =	vlt.s32 v63, s22;
	s24 =	ssub.s32 s22, s29  }
0xd9: {  	v17 =	vsel vm14, $0x80000010, v3;
	vm15 =	vlt.s32 v16, s24  }
0xda: {  	(xrf0) =	vmin.scan.msk.u32 $0xffff, v17;
	v16 =	vsel vm15, $0x80000010, v3  }
0xdb: {  	(xrf0) =	vmin.scan.msk.u32 $0xffff, v16;
	_ =	sdelay $0x4  }
0xdc: {  	v16, _, _ =	vpop (xrf0)  }
0xdd: {  	(v2sf) =	vpush v16, $0xF;
	v16, _, _ =	vpop (xrf0)  }
0xde: {  	(v2sf) =	vpush v16, $0xF;
	_ =	sdelay $0xd  }
0xdf: {  	s30 =	spop (v2sf)  }
0xe0: {  	s31 =	spop (v2sf)  }
0xe1: {  	s25 =	sxor.u32 $0x80000000, s31  }
0xe2: {  	s24 =	sxor.u32 $0x80000000, s30;
	p2 =	slt.s32 s25, $0xF  }
0xe3: {  	s20 =	sadd.s32 $0x1, s20;
	p3 =	slt.s32 s24, $0xF;
	s25 =	simm.s32 @!p2 $0xF  }
0xe4: {  	s24 =	simm.s32 @!p3 $0xF;
	p2 =	sgt.s32 s22, s29;
	s22 =	sadd.s32 $0x10, s25  }
0xe5: {  	s24 =	smov.u32 @p2 s22;
	p2 =	sne.s32 s20, $0x3  }
.Ltmp3:
0xe6: {  	_ = 	snop;
	(pc) =	sbr.rel @p2 .LBB2_7-.Ltmp3, $4  }
0xe7: {  	_ = 	snop  }
0xe8: {  	s21 =	sadd.s32 s21, s24  }
0xe9: {  	s21 =	simm.s32 @!p1 $0x0  }
0xea: {  	v11 =	vsel vm0, s21, v11  }
0xeb: {  	_ =	sdelay $0x2  }
0xec: {  	s17 =	sshll.u32 s17, $0x4  }
0xed: {  	[tilespmem:v11+s14+$0x0] =	vst.idx.msk $0x7, v5;
	s17 =	sadd.s32 s17, s6  }
0xee: {  	[hbm4b:s17+s8] =	stream.strided.scatter [tilespmem:s14], [sflag:$0x2], $0x2000, s9, s8, $0x38;
	[tilespmem:$0x6080] =	vst v63  }
.Ltmp4:
0xef: {  	_ = 	snop;
	(pc) =	sbr.rel @p0 .LBB2_4-.Ltmp4, $4  }
0xf0: {  	_ =	swait.ge [sflag:s12], $0x2000  }
0xf1: {  	[sflag:s12] =	ssyncset.done $0x0  }
0xf2: {  	[sflag:s12] =	ssyncadd.s32 $0xFFFFE000  }
0xf3: {  	p1 =	por $0x0, $0x0;
	s17 =	simm.s32 $0x1;
	[tilespmem:v11+s14+$0x0] =	vst.idx.msk $0x7, v1  }
0xf4: {  	s15 =	sadd.s32 $0x1, s15  }
0xf5: {  	p0 =	sne.s32 s15, s7  }
.Ltmp5:
0xf6: {  	_ = 	snop;
	(pc) =	sbr.rel @p0 .LBB2_1-.Ltmp5, $1  }
0xf7: {  	_ =	sdelay $0x3  }
0xf8: {  	_ =	sfence.sel $0x180000  }
0xf9: {  	[bflag:$0x0] =	sbarrier.arrive $0xFFFF  }
0xfa: {  	p0 =	sne.s32 s1, $0x0;
	_ =	strace $0x90000047  }
0xfb: {  	s0 =	sadd.s32 @!p0 $0x100000, s0;
	[bflag:$0x2] =	sbarrier.arrive $0xFFFF  }
0xfc: {  	[sflag:s0] =	ssyncadd.tile.s32 @!p0 $0x1;
	_ =	shalt  }
.Lfunc_end2:
_tile_overlayer_lowered:
.L_overlay_start_2:
0xfd: {  	(tag) =	ssettag $0x2  }
0xfe: {  	s0 =	rddreg [dreg:$0x0];
	s2 =	stileid.u32  }
0xff: {  	s1 =	rddreg [dreg:$0x1];
	p0 =	sne.s32 s2, $0x0  }
0x100: {  	s3 =	rddreg [dreg:$0x2];
	[bflag:$0x3] =	sbarrier.arrive $0xFFFF;
	s2 =	simm.s32 @!p0 $0x1C02  }
0x101: {  	[timem:s3], [sflag:s2] =	dma.local @!p0 [hbm:s0], s1  }
0x102: {  	s0 =	simm.s32 @!p0 $0x2  }
0x103: {  	_ =	swait.ge @!p0 [sflag:s0], s1  }
0x104: {  	s1 =	ssub.s32 @!p0 $0x0, s1;
	[sflag:s0] =	ssyncset.done @!p0 $0x0  }
0x105: {  	[sflag:s0] =	ssyncadd.s32 @!p0 s1  }
0x106: {  	[bflag:$0x3] =	sbarrier.arrive $0xFFFF  }
0x107: {  	_ =	shalt  }

</sc_bundles>
